<compile_context>
chip_gen: v7x
topology: tpu7x:2x2x1
jax: 0.10.2.dev20260603
libtpu: 0.0.44.dev20260713+nightly
codegen_flags: <defaults>
</compile_context>

<pallas_src>
import functools

import jax
import jax.numpy as jnp
from jax import lax
from jax.experimental import pallas as pl
from jax.experimental.pallas import tpu as pltpu
from jax.experimental.pallas import tpu_sc as plsc

_EPS = 1e-5
_B = 16384
_D = 64
_H = 256
_NV = 1000000

_NC = 2
_NS = 16
_NW = _NC * _NS
_BPW = _B // _NW
_CHUNK = 128
_K = _BPW // _CHUNK

_H4 = 262144
_PBLK = 16384
_NPB = _H4 // _PBLK
_EDGE = (_NV + _PBLK - 1) // _PBLK - 1


def _pack_body(x0_ref, x1_ref, x2_ref, x3_ref, ident_ref, o_ref):
    ident = ident_ref[...]

    def t(x_ref):
        return lax.dot_general(
            x_ref[...].astype(jnp.bfloat16), ident,
            (((0,), (0,)), ((), ())),
            preferred_element_type=jnp.float32,
        )

    def pack_pair(lo, hi):
        lo_u = lax.bitcast_convert_type(
            lo.astype(jnp.bfloat16), jnp.uint16
        ).astype(jnp.uint32)
        hi_u = lax.bitcast_convert_type(
            hi.astype(jnp.bfloat16), jnp.uint16
        ).astype(jnp.uint32)
        return lax.bitcast_convert_type((hi_u << 16) | lo_u, jnp.float32)

    w01 = pack_pair(t(x0_ref), t(x1_ref))
    w23 = pack_pair(t(x2_ref), t(x3_ref))
    o_ref[...] = jnp.concatenate([w01, w23], axis=1)


def _pack(table_t, ident):
    def mk(k):
        return pl.BlockSpec(
            (_D, _PBLK), lambda i, k=k: (0, jnp.minimum(k * _NPB + i, _EDGE))
        )

    return pl.pallas_call(
        _pack_body,
        grid=(_NPB,),
        in_specs=[
            mk(0), mk(1), mk(2), mk(3),
            pl.BlockSpec((_D, _D), lambda i: (0, 0)),
        ],
        out_specs=pl.BlockSpec((_PBLK, 2 * _D), lambda i: (i, 0)),
        out_shape=jax.ShapeDtypeStruct((_H4, 2 * _D), jnp.float32),
        compiler_params=pltpu.CompilerParams(
            fuse_transposed_lhs_in_matmul=True,
            vmem_limit_bytes=110 * 1024 * 1024,
        ),
    )(table_t, table_t, table_t, table_t, ident)


def _make_sc_gather():
    mesh = plsc.VectorSubcoreMesh(core_axis_name="c", subcore_axis_name="s")

    @functools.partial(
        pl.kernel,
        mesh=mesh,
        out_type=jax.ShapeDtypeStruct((_B, 2 * _D), jnp.float32),
        scratch_types=[
            pltpu.VMEM((_BPW,), jnp.int32),
            pltpu.VMEM((_K, _CHUNK), jnp.int32),
            pltpu.VMEM((_BPW, 2 * _D), jnp.float32),
            pltpu.SemaphoreType.DMA,
        ],
    )
    def gather_kernel(packed_hbm, idx_hbm, out_hbm, idx_v, pidx_v, rows_v, sem):
        wid = lax.axis_index("s") * _NC + lax.axis_index("c")
        base = wid * _BPW
        pltpu.sync_copy(idx_hbm.at[pl.ds(base, _BPW)], idx_v)
        for j in range(_BPW // 16):
            v = idx_v[pl.ds(j * 16, 16)]
            p = v & (_H4 - 1)
            pidx_v[j // (_CHUNK // 16), pl.ds((j % (_CHUNK // 16)) * 16, 16)] = p
        copies = []
        for k in range(_K):
            copies.append(
                pltpu.async_copy(
                    packed_hbm.at[pidx_v.at[k]],
                    rows_v.at[pl.ds(k * _CHUNK, _CHUNK)],
                    sem,
                )
            )
        for c in copies:
            c.wait()
        pltpu.sync_copy(rows_v, out_hbm.at[pl.ds(base, _BPW)])

    return gather_kernel


_sc_gather_cache = []


def _get_sc_gather():
    if not _sc_gather_cache:
        _sc_gather_cache.append(_make_sc_gather())
    return _sc_gather_cache[0]


_BLK = 4096


def _fc_body(x2_ref, r_ref, w_ref, b_ref, g_ref, beta_ref, o_ref):
    x2 = x2_ref[...]
    r = r_ref[0]
    q = r >> 18
    xw = jnp.where(q >= 2, x2[:, _D:], x2[:, :_D])
    u = lax.bitcast_convert_type(xw, jnp.uint32)
    odd = (q & 1) == 1
    bits = jnp.where(odd, u & jnp.uint32(0xFFFF0000), u << 16)
    x = lax.bitcast_convert_type(bits, jnp.float32)
    y = lax.dot_general(
        x, w_ref[...], (((1,), (1,)), ((), ())),
        preferred_element_type=jnp.float32,
    )
    y = jnp.maximum(y + b_ref[...], 0.0)
    mean = jnp.mean(y, axis=-1, keepdims=True)
    yc = y - mean
    var = jnp.mean(yc * yc, axis=-1, keepdims=True)
    o_ref[...] = yc * lax.rsqrt(var + _EPS) * g_ref[...] + beta_ref[...]


def _tc_fc_ln(x2, user_input, W, b, gamma, beta):
    r3 = user_input.reshape(_B // _BLK, _BLK, 1)
    return pl.pallas_call(
        _fc_body,
        grid=(_B // _BLK,),
        in_specs=[
            pl.BlockSpec((_BLK, 2 * _D), lambda i: (i, 0)),
            pl.BlockSpec((1, _BLK, 1), lambda i: (i, 0, 0)),
            pl.BlockSpec((_H, _D), lambda i: (0, 0)),
            pl.BlockSpec((1, _H), lambda i: (0, 0)),
            pl.BlockSpec((1, _H), lambda i: (0, 0)),
            pl.BlockSpec((1, _H), lambda i: (0, 0)),
        ],
        out_specs=pl.BlockSpec((_BLK, _H), lambda i: (i, 0)),
        out_shape=jax.ShapeDtypeStruct((_B, _H), jnp.float32),
    )(x2, r3, W, b.reshape(1, _H), gamma.reshape(1, _H), beta.reshape(1, _H))


def kernel(user_input, emb_table, W, b, gamma, beta):
    ident = jnp.eye(_D, dtype=jnp.bfloat16)
    packed = _pack(emb_table.T, ident)
    x2 = _get_sc_gather()(packed, user_input)
    return _tc_fc_ln(x2, user_input, W, b, gamma, beta)

# --- scband reference (transcript-rebuilt; emitter-appended) ---
"""Pipeline reference for scband-user-tower-43954695307908 (READ-ONLY COPY).

The authoritative reference and input builder live on the scoring server;
editing this copy changes nothing except your own understanding.
"""

import jax, jax.numpy as jnp
import numpy as np

NUM_EMB = 1000000
EMB_DIM = 64
HIDDEN_DIM = 256
BATCH = 16384
EPS = 1e-5


def setup_inputs(seed: int = 0) -> dict:
    key = jax.random.key(seed)
    k_idx, k_emb, k_w, k_b = jax.random.split(key, 4)
    user_input = jax.random.randint(k_idx, (BATCH,), 0, NUM_EMB, dtype=jnp.int64 if jax.config.jax_enable_x64 else jnp.int32).astype(jnp.int32)
    emb_table = jax.random.normal(k_emb, (NUM_EMB, EMB_DIM), dtype=jnp.float32)
    # nn.Linear(total_input_dim=64, hidden_dim=256): weight [out, in], bias [out]
    W = jax.random.normal(k_w, (HIDDEN_DIM, EMB_DIM), dtype=jnp.float32) * (1.0 / np.sqrt(EMB_DIM))
    b = jax.random.normal(k_b, (HIDDEN_DIM,), dtype=jnp.float32) * 0.01
    gamma = jnp.ones((HIDDEN_DIM,), dtype=jnp.float32)
    beta = jnp.zeros((HIDDEN_DIM,), dtype=jnp.float32)
    return {"user_input": user_input, "emb_table": emb_table, "W": W, "b": b, "gamma": gamma, "beta": beta}


def reference(user_input, emb_table, W, b, gamma, beta):
    # feature_metadata is empty -> only the base embedding lookup
    x = jnp.take(emb_table, user_input, axis=0)  # [B, EMB_DIM] gather
    x = x @ W.T + b                               # fc
    x = jax.nn.relu(x)
    # LayerNorm over last dim
    mean = jnp.mean(x, axis=-1, keepdims=True)
    var = jnp.mean(jnp.square(x - mean), axis=-1, keepdims=True)
    x = (x - mean) / jnp.sqrt(var + EPS)
    return x * gamma + beta

if __name__ == "__main__":
    import jax
    _d = setup_inputs()
    print(jax.jit(kernel)(*tuple(_d.values())))

</pallas_src>

<mosaic_0001>
#map = affine_map<(d0, d1) -> (0, 0)>
#map1 = affine_map<(d0, d1) -> (0)>
module attributes {stable_mosaic.version = 14 : i64} {
  func.func @gather_kernel(%arg0: i32, %arg1: i32, %arg2: memref<262144x128xf32, #tpu.memory_space<hbm>>, %arg3: memref<16384xi32, #tpu.memory_space<hbm>>, %arg4: memref<16384x128xf32, #tpu.memory_space<hbm>>, %arg5: memref<512xi32, #tpu.memory_space<vmem>>, %arg6: memref<4x128xi32, #tpu.memory_space<vmem>>, %arg7: memref<512x128xf32, #tpu.memory_space<vmem>>, %arg8: memref<!tpu.dma_semaphore, #tpu.memory_space<semaphore_mem>>) attributes {dimension_semantics = [#tpu.dimension_semantics<core_parallel>, #tpu.dimension_semantics<subcore_parallel>], iteration_bounds = array<i64: 2, 16>, scalar_prefetch = 0 : i64, scratch_operands = 4 : i64, tpu.core_type = #tpu.core_type<sc_vector_subcore>, window_params = [{transform_indices = #map}, {transform_indices = #map1}, {transform_indices = #map}]} {
    %mul3A = arith.constant 2 : i32
    %mul3A_0 = arith.muli %arg1, %mul3A : i32
    %add3A = arith.addi %mul3A_0, %arg0 : i32
    %mul3A_1 = arith.constant 512 : i32
    %mul3A_2 = arith.muli %add3A, %mul3A_1 : i32
    "tpu.region"() ({
      %run_scoped3A = tpu.sem_alloc : memref<!tpu.dma_semaphore, #tpu.memory_space<semaphore_mem>>
      %dma_start3A_462 = tpu.memref_slice %arg3[%mul3A_2] : memref<16384xi32, #tpu.memory_space<hbm>> -> memref<512xi32, #tpu.memory_space<hbm>>
      %dma_start3A_463 = tpu.memref_slice %arg3[%mul3A_2] : memref<16384xi32, #tpu.memory_space<hbm>> -> memref<512xi32, #tpu.memory_space<hbm>>
      tpu.enqueue_dma source(%dma_start3A_463 : memref<512xi32, #tpu.memory_space<hbm>>) target(%arg5 : memref<512xi32, #tpu.memory_space<vmem>>) target_semaphore(%run_scoped3A : memref<!tpu.dma_semaphore, #tpu.memory_space<semaphore_mem>>)
      %dma_wait3A_464 = tpu.memref_slice %arg3[%mul3A_2] : memref<16384xi32, #tpu.memory_space<hbm>> -> memref<512xi32, #tpu.memory_space<hbm>>
      %dma_wait3A_465 = tpu.memref_slice %arg3[%mul3A_2] : memref<16384xi32, #tpu.memory_space<hbm>> -> memref<512xi32, #tpu.memory_space<hbm>>
      tpu.wait_dma2 semaphore(%run_scoped3A : memref<!tpu.dma_semaphore, #tpu.memory_space<semaphore_mem>>) src(%dma_wait3A_465 : memref<512xi32, #tpu.memory_space<hbm>>) dst(%arg5 : memref<512xi32, #tpu.memory_space<vmem>>)
      tpu.yield
    }) : () -> ()
    %get3A = arith.constant 0 : index
    %get3A_3 = tpu.vector_load %arg5[%get3A] {strides = array<i32>} : memref<512xi32, #tpu.memory_space<vmem>>, vector<16xi32>,
    %get3A_4 = vector.shape_cast %get3A_3 : vector<16xi32> to vector<16xi32>
    %and3A = arith.constant 262143 : i32
    %and3A_5 = vector.broadcast %and3A : i32 to vector<16xi32>
    %and3A_6 = arith.andi %get3A_4, %and3A_5 : vector<16xi32>
    %swap3A = arith.constant 0 : i32
    %swap3A_7 = arith.index_cast %swap3A : i32 to index
    %swap3A_8 = arith.constant 0 : index
    %swap3A_9 = tpu.vector_load %arg6[%swap3A_7, %swap3A_8] {strides = array<i32>} : memref<4x128xi32, #tpu.memory_space<vmem>>, vector<1x16xi32>,
    %swap3A_10 = vector.shape_cast %swap3A_9 : vector<1x16xi32> to vector<16xi32>
    %swap3A_11 = vector.shape_cast %and3A_6 : vector<16xi32> to vector<1x16xi32>
    tpu.vector_store %arg6[%swap3A_7, %swap3A_8], %swap3A_11 {strides = array<i32>} : memref<4x128xi32, #tpu.memory_space<vmem>>, vector<1x16xi32>,
    %get3A_12 = arith.constant 16 : index
    %get3A_13 = tpu.vector_load %arg5[%get3A_12] {strides = array<i32>} : memref<512xi32, #tpu.memory_space<vmem>>, vector<16xi32>,
    %get3A_14 = vector.shape_cast %get3A_13 : vector<16xi32> to vector<16xi32>
    %and3A_15 = arith.constant 262143 : i32
    %and3A_16 = vector.broadcast %and3A_15 : i32 to vector<16xi32>
    %and3A_17 = arith.andi %get3A_14, %and3A_16 : vector<16xi32>
    %swap3A_18 = arith.constant 0 : i32
    %swap3A_19 = arith.index_cast %swap3A_18 : i32 to index
    %swap3A_20 = arith.constant 16 : index
    %swap3A_21 = tpu.vector_load %arg6[%swap3A_19, %swap3A_20] {strides = array<i32>} : memref<4x128xi32, #tpu.memory_space<vmem>>, vector<1x16xi32>,
    %swap3A_22 = vector.shape_cast %swap3A_21 : vector<1x16xi32> to vector<16xi32>
    %swap3A_23 = vector.shape_cast %and3A_17 : vector<16xi32> to vector<1x16xi32>
    tpu.vector_store %arg6[%swap3A_19, %swap3A_20], %swap3A_23 {strides = array<i32>} : memref<4x128xi32, #tpu.memory_space<vmem>>, vector<1x16xi32>,
    %get3A_24 = arith.constant 32 : index
    %get3A_25 = tpu.vector_load %arg5[%get3A_24] {strides = array<i32>} : memref<512xi32, #tpu.memory_space<vmem>>, vector<16xi32>,
    %get3A_26 = vector.shape_cast %get3A_25 : vector<16xi32> to vector<16xi32>
    %and3A_27 = arith.constant 262143 : i32
    %and3A_28 = vector.broadcast %and3A_27 : i32 to vector<16xi32>
    %and3A_29 = arith.andi %get3A_26, %and3A_28 : vector<16xi32>
    %swap3A_30 = arith.constant 0 : i32
    %swap3A_31 = arith.index_cast %swap3A_30 : i32 to index
    %swap3A_32 = arith.constant 32 : index
    %swap3A_33 = tpu.vector_load %arg6[%swap3A_31, %swap3A_32] {strides = array<i32>} : memref<4x128xi32, #tpu.memory_space<vmem>>, vector<1x16xi32>,
    %swap3A_34 = vector.shape_cast %swap3A_33 : vector<1x16xi32> to vector<16xi32>
    %swap3A_35 = vector.shape_cast %and3A_29 : vector<16xi32> to vector<1x16xi32>
    tpu.vector_store %arg6[%swap3A_31, %swap3A_32], %swap3A_35 {strides = array<i32>} : memref<4x128xi32, #tpu.memory_space<vmem>>, vector<1x16xi32>,
    %get3A_36 = arith.constant 48 : index
    %get3A_37 = tpu.vector_load %arg5[%get3A_36] {strides = array<i32>} : memref<512xi32, #tpu.memory_space<vmem>>, vector<16xi32>,
    %get3A_38 = vector.shape_cast %get3A_37 : vector<16xi32> to vector<16xi32>
    %and3A_39 = arith.constant 262143 : i32
    %and3A_40 = vector.broadcast %and3A_39 : i32 to vector<16xi32>
    %and3A_41 = arith.andi %get3A_38, %and3A_40 : vector<16xi32>
    %swap3A_42 = arith.constant 0 : i32
    %swap3A_43 = arith.index_cast %swap3A_42 : i32 to index
    %swap3A_44 = arith.constant 48 : index
    %swap3A_45 = tpu.vector_load %arg6[%swap3A_43, %swap3A_44] {strides = array<i32>} : memref<4x128xi32, #tpu.memory_space<vmem>>, vector<1x16xi32>,
    %swap3A_46 = vector.shape_cast %swap3A_45 : vector<1x16xi32> to vector<16xi32>
    %swap3A_47 = vector.shape_cast %and3A_41 : vector<16xi32> to vector<1x16xi32>
    tpu.vector_store %arg6[%swap3A_43, %swap3A_44], %swap3A_47 {strides = array<i32>} : memref<4x128xi32, #tpu.memory_space<vmem>>, vector<1x16xi32>,
    %get3A_48 = arith.constant 64 : index
    %get3A_49 = tpu.vector_load %arg5[%get3A_48] {strides = array<i32>} : memref<512xi32, #tpu.memory_space<vmem>>, vector<16xi32>,
    %get3A_50 = vector.shape_cast %get3A_49 : vector<16xi32> to vector<16xi32>
    %and3A_51 = arith.constant 262143 : i32
    %and3A_52 = vector.broadcast %and3A_51 : i32 to vector<16xi32>
    %and3A_53 = arith.andi %get3A_50, %and3A_52 : vector<16xi32>
    %swap3A_54 = arith.constant 0 : i32
    %swap3A_55 = arith.index_cast %swap3A_54 : i32 to index
    %swap3A_56 = arith.constant 64 : index
    %swap3A_57 = tpu.vector_load %arg6[%swap3A_55, %swap3A_56] {strides = array<i32>} : memref<4x128xi32, #tpu.memory_space<vmem>>, vector<1x16xi32>,
    %swap3A_58 = vector.shape_cast %swap3A_57 : vector<1x16xi32> to vector<16xi32>
    %swap3A_59 = vector.shape_cast %and3A_53 : vector<16xi32> to vector<1x16xi32>
    tpu.vector_store %arg6[%swap3A_55, %swap3A_56], %swap3A_59 {strides = array<i32>} : memref<4x128xi32, #tpu.memory_space<vmem>>, vector<1x16xi32>,
    %get3A_60 = arith.constant 80 : index
    %get3A_61 = tpu.vector_load %arg5[%get3A_60] {strides = array<i32>} : memref<512xi32, #tpu.memory_space<vmem>>, vector<16xi32>,
    %get3A_62 = vector.shape_cast %get3A_61 : vector<16xi32> to vector<16xi32>
    %and3A_63 = arith.constant 262143 : i32
    %and3A_64 = vector.broadcast %and3A_63 : i32 to vector<16xi32>
    %and3A_65 = arith.andi %get3A_62, %and3A_64 : vector<16xi32>
    %swap3A_66 = arith.constant 0 : i32
    %swap3A_67 = arith.index_cast %swap3A_66 : i32 to index
    %swap3A_68 = arith.constant 80 : index
    %swap3A_69 = tpu.vector_load %arg6[%swap3A_67, %swap3A_68] {strides = array<i32>} : memref<4x128xi32, #tpu.memory_space<vmem>>, vector<1x16xi32>,
    %swap3A_70 = vector.shape_cast %swap3A_69 : vector<1x16xi32> to vector<16xi32>
    %swap3A_71 = vector.shape_cast %and3A_65 : vector<16xi32> to vector<1x16xi32>
    tpu.vector_store %arg6[%swap3A_67, %swap3A_68], %swap3A_71 {strides = array<i32>} : memref<4x128xi32, #tpu.memory_space<vmem>>, vector<1x16xi32>,
    %get3A_72 = arith.constant 96 : index
    %get3A_73 = tpu.vector_load %arg5[%get3A_72] {strides = array<i32>} : memref<512xi32, #tpu.memory_space<vmem>>, vector<16xi32>,
    %get3A_74 = vector.shape_cast %get3A_73 : vector<16xi32> to vector<16xi32>
    %and3A_75 = arith.constant 262143 : i32
    %and3A_76 = vector.broadcast %and3A_75 : i32 to vector<16xi32>
    %and3A_77 = arith.andi %get3A_74, %and3A_76 : vector<16xi32>
    %swap3A_78 = arith.constant 0 : i32
    %swap3A_79 = arith.index_cast %swap3A_78 : i32 to index
    %swap3A_80 = arith.constant 96 : index
    %swap3A_81 = tpu.vector_load %arg6[%swap3A_79, %swap3A_80] {strides = array<i32>} : memref<4x128xi32, #tpu.memory_space<vmem>>, vector<1x16xi32>,
    %swap3A_82 = vector.shape_cast %swap3A_81 : vector<1x16xi32> to vector<16xi32>
    %swap3A_83 = vector.shape_cast %and3A_77 : vector<16xi32> to vector<1x16xi32>
    tpu.vector_store %arg6[%swap3A_79, %swap3A_80], %swap3A_83 {strides = array<i32>} : memref<4x128xi32, #tpu.memory_space<vmem>>, vector<1x16xi32>,
    %get3A_84 = arith.constant 112 : index
    %get3A_85 = tpu.vector_load %arg5[%get3A_84] {strides = array<i32>} : memref<512xi32, #tpu.memory_space<vmem>>, vector<16xi32>,
    %get3A_86 = vector.shape_cast %get3A_85 : vector<16xi32> to vector<16xi32>
    %and3A_87 = arith.constant 262143 : i32
    %and3A_88 = vector.broadcast %and3A_87 : i32 to vector<16xi32>
    %and3A_89 = arith.andi %get3A_86, %and3A_88 : vector<16xi32>
    %swap3A_90 = arith.constant 0 : i32
    %swap3A_91 = arith.index_cast %swap3A_90 : i32 to index
    %swap3A_92 = arith.constant 112 : index
    %swap3A_93 = tpu.vector_load %arg6[%swap3A_91, %swap3A_92] {strides = array<i32>} : memref<4x128xi32, #tpu.memory_space<vmem>>, vector<1x16xi32>,
    %swap3A_94 = vector.shape_cast %swap3A_93 : vector<1x16xi32> to vector<16xi32>
    %swap3A_95 = vector.shape_cast %and3A_89 : vector<16xi32> to vector<1x16xi32>
    tpu.vector_store %arg6[%swap3A_91, %swap3A_92], %swap3A_95 {strides = array<i32>} : memref<4x128xi32, #tpu.memory_space<vmem>>, vector<1x16xi32>,
    %get3A_96 = arith.constant 128 : index
    %get3A_97 = tpu.vector_load %arg5[%get3A_96] {strides = array<i32>} : memref<512xi32, #tpu.memory_space<vmem>>, vector<16xi32>,
    %get3A_98 = vector.shape_cast %get3A_97 : vector<16xi32> to vector<16xi32>
    %and3A_99 = arith.constant 262143 : i32
    %and3A_100 = vector.broadcast %and3A_99 : i32 to vector<16xi32>
    %and3A_101 = arith.andi %get3A_98, %and3A_100 : vector<16xi32>
    %swap3A_102 = arith.constant 1 : i32
    %swap3A_103 = arith.index_cast %swap3A_102 : i32 to index
    %swap3A_104 = arith.constant 0 : index
    %swap3A_105 = tpu.vector_load %arg6[%swap3A_103, %swap3A_104] {strides = array<i32>} : memref<4x128xi32, #tpu.memory_space<vmem>>, vector<1x16xi32>,
    %swap3A_106 = vector.shape_cast %swap3A_105 : vector<1x16xi32> to vector<16xi32>
    %swap3A_107 = vector.shape_cast %and3A_101 : vector<16xi32> to vector<1x16xi32>
    tpu.vector_store %arg6[%swap3A_103, %swap3A_104], %swap3A_107 {strides = array<i32>} : memref<4x128xi32, #tpu.memory_space<vmem>>, vector<1x16xi32>,
    %get3A_108 = arith.constant 144 : index
    %get3A_109 = tpu.vector_load %arg5[%get3A_108] {strides = array<i32>} : memref<512xi32, #tpu.memory_space<vmem>>, vector<16xi32>,
    %get3A_110 = vector.shape_cast %get3A_109 : vector<16xi32> to vector<16xi32>
    %and3A_111 = arith.constant 262143 : i32
    %and3A_112 = vector.broadcast %and3A_111 : i32 to vector<16xi32>
    %and3A_113 = arith.andi %get3A_110, %and3A_112 : vector<16xi32>
    %swap3A_114 = arith.constant 1 : i32
    %swap3A_115 = arith.index_cast %swap3A_114 : i32 to index
    %swap3A_116 = arith.constant 16 : index
    %swap3A_117 = tpu.vector_load %arg6[%swap3A_115, %swap3A_116] {strides = array<i32>} : memref<4x128xi32, #tpu.memory_space<vmem>>, vector<1x16xi32>,
    %swap3A_118 = vector.shape_cast %swap3A_117 : vector<1x16xi32> to vector<16xi32>
    %swap3A_119 = vector.shape_cast %and3A_113 : vector<16xi32> to vector<1x16xi32>
    tpu.vector_store %arg6[%swap3A_115, %swap3A_116], %swap3A_119 {strides = array<i32>} : memref<4x128xi32, #tpu.memory_space<vmem>>, vector<1x16xi32>,
    %get3A_120 = arith.constant 160 : index
    %get3A_121 = tpu.vector_load %arg5[%get3A_120] {strides = array<i32>} : memref<512xi32, #tpu.memory_space<vmem>>, vector<16xi32>,
    %get3A_122 = vector.shape_cast %get3A_121 : vector<16xi32> to vector<16xi32>
    %and3A_123 = arith.constant 262143 : i32
    %and3A_124 = vector.broadcast %and3A_123 : i32 to vector<16xi32>
    %and3A_125 = arith.andi %get3A_122, %and3A_124 : vector<16xi32>
    %swap3A_126 = arith.constant 1 : i32
    %swap3A_127 = arith.index_cast %swap3A_126 : i32 to index
    %swap3A_128 = arith.constant 32 : index
    %swap3A_129 = tpu.vector_load %arg6[%swap3A_127, %swap3A_128] {strides = array<i32>} : memref<4x128xi32, #tpu.memory_space<vmem>>, vector<1x16xi32>,
    %swap3A_130 = vector.shape_cast %swap3A_129 : vector<1x16xi32> to vector<16xi32>
    %swap3A_131 = vector.shape_cast %and3A_125 : vector<16xi32> to vector<1x16xi32>
    tpu.vector_store %arg6[%swap3A_127, %swap3A_128], %swap3A_131 {strides = array<i32>} : memref<4x128xi32, #tpu.memory_space<vmem>>, vector<1x16xi32>,
    %get3A_132 = arith.constant 176 : index
    %get3A_133 = tpu.vector_load %arg5[%get3A_132] {strides = array<i32>} : memref<512xi32, #tpu.memory_space<vmem>>, vector<16xi32>,
    %get3A_134 = vector.shape_cast %get3A_133 : vector<16xi32> to vector<16xi32>
    %and3A_135 = arith.constant 262143 : i32
    %and3A_136 = vector.broadcast %and3A_135 : i32 to vector<16xi32>
    %and3A_137 = arith.andi %get3A_134, %and3A_136 : vector<16xi32>
    %swap3A_138 = arith.constant 1 : i32
    %swap3A_139 = arith.index_cast %swap3A_138 : i32 to index
    %swap3A_140 = arith.constant 48 : index
    %swap3A_141 = tpu.vector_load %arg6[%swap3A_139, %swap3A_140] {strides = array<i32>} : memref<4x128xi32, #tpu.memory_space<vmem>>, vector<1x16xi32>,
    %swap3A_142 = vector.shape_cast %swap3A_141 : vector<1x16xi32> to vector<16xi32>
    %swap3A_143 = vector.shape_cast %and3A_137 : vector<16xi32> to vector<1x16xi32>
    tpu.vector_store %arg6[%swap3A_139, %swap3A_140], %swap3A_143 {strides = array<i32>} : memref<4x128xi32, #tpu.memory_space<vmem>>, vector<1x16xi32>,
    %get3A_144 = arith.constant 192 : index
    %get3A_145 = tpu.vector_load %arg5[%get3A_144] {strides = array<i32>} : memref<512xi32, #tpu.memory_space<vmem>>, vector<16xi32>,
    %get3A_146 = vector.shape_cast %get3A_145 : vector<16xi32> to vector<16xi32>
    %and3A_147 = arith.constant 262143 : i32
    %and3A_148 = vector.broadcast %and3A_147 : i32 to vector<16xi32>
    %and3A_149 = arith.andi %get3A_146, %and3A_148 : vector<16xi32>
    %swap3A_150 = arith.constant 1 : i32
    %swap3A_151 = arith.index_cast %swap3A_150 : i32 to index
    %swap3A_152 = arith.constant 64 : index
    %swap3A_153 = tpu.vector_load %arg6[%swap3A_151, %swap3A_152] {strides = array<i32>} : memref<4x128xi32, #tpu.memory_space<vmem>>, vector<1x16xi32>,
    %swap3A_154 = vector.shape_cast %swap3A_153 : vector<1x16xi32> to vector<16xi32>
    %swap3A_155 = vector.shape_cast %and3A_149 : vector<16xi32> to vector<1x16xi32>
    tpu.vector_store %arg6[%swap3A_151, %swap3A_152], %swap3A_155 {strides = array<i32>} : memref<4x128xi32, #tpu.memory_space<vmem>>, vector<1x16xi32>,
    %get3A_156 = arith.constant 208 : index
    %get3A_157 = tpu.vector_load %arg5[%get3A_156] {strides = array<i32>} : memref<512xi32, #tpu.memory_space<vmem>>, vector<16xi32>,
    %get3A_158 = vector.shape_cast %get3A_157 : vector<16xi32> to vector<16xi32>
    %and3A_159 = arith.constant 262143 : i32
    %and3A_160 = vector.broadcast %and3A_159 : i32 to vector<16xi32>
    %and3A_161 = arith.andi %get3A_158, %and3A_160 : vector<16xi32>
    %swap3A_162 = arith.constant 1 : i32
    %swap3A_163 = arith.index_cast %swap3A_162 : i32 to index
    %swap3A_164 = arith.constant 80 : index
    %swap3A_165 = tpu.vector_load %arg6[%swap3A_163, %swap3A_164] {strides = array<i32>} : memref<4x128xi32, #tpu.memory_space<vmem>>, vector<1x16xi32>,
    %swap3A_166 = vector.shape_cast %swap3A_165 : vector<1x16xi32> to vector<16xi32>
    %swap3A_167 = vector.shape_cast %and3A_161 : vector<16xi32> to vector<1x16xi32>
    tpu.vector_store %arg6[%swap3A_163, %swap3A_164], %swap3A_167 {strides = array<i32>} : memref<4x128xi32, #tpu.memory_space<vmem>>, vector<1x16xi32>,
    %get3A_168 = arith.constant 224 : index
    %get3A_169 = tpu.vector_load %arg5[%get3A_168] {strides = array<i32>} : memref<512xi32, #tpu.memory_space<vmem>>, vector<16xi32>,
    %get3A_170 = vector.shape_cast %get3A_169 : vector<16xi32> to vector<16xi32>
    %and3A_171 = arith.constant 262143 : i32
    %and3A_172 = vector.broadcast %and3A_171 : i32 to vector<16xi32>
    %and3A_173 = arith.andi %get3A_170, %and3A_172 : vector<16xi32>
    %swap3A_174 = arith.constant 1 : i32
    %swap3A_175 = arith.index_cast %swap3A_174 : i32 to index
    %swap3A_176 = arith.constant 96 : index
    %swap3A_177 = tpu.vector_load %arg6[%swap3A_175, %swap3A_176] {strides = array<i32>} : memref<4x128xi32, #tpu.memory_space<vmem>>, vector<1x16xi32>,
    %swap3A_178 = vector.shape_cast %swap3A_177 : vector<1x16xi32> to vector<16xi32>
    %swap3A_179 = vector.shape_cast %and3A_173 : vector<16xi32> to vector<1x16xi32>
    tpu.vector_store %arg6[%swap3A_175, %swap3A_176], %swap3A_179 {strides = array<i32>} : memref<4x128xi32, #tpu.memory_space<vmem>>, vector<1x16xi32>,
    %get3A_180 = arith.constant 240 : index
    %get3A_181 = tpu.vector_load %arg5[%get3A_180] {strides = array<i32>} : memref<512xi32, #tpu.memory_space<vmem>>, vector<16xi32>,
    %get3A_182 = vector.shape_cast %get3A_181 : vector<16xi32> to vector<16xi32>
    %and3A_183 = arith.constant 262143 : i32
    %and3A_184 = vector.broadcast %and3A_183 : i32 to vector<16xi32>
    %and3A_185 = arith.andi %get3A_182, %and3A_184 : vector<16xi32>
    %swap3A_186 = arith.constant 1 : i32
    %swap3A_187 = arith.index_cast %swap3A_186 : i32 to index
    %swap3A_188 = arith.constant 112 : index
    %swap3A_189 = tpu.vector_load %arg6[%swap3A_187, %swap3A_188] {strides = array<i32>} : memref<4x128xi32, #tpu.memory_space<vmem>>, vector<1x16xi32>,
    %swap3A_190 = vector.shape_cast %swap3A_189 : vector<1x16xi32> to vector<16xi32>
    %swap3A_191 = vector.shape_cast %and3A_185 : vector<16xi32> to vector<1x16xi32>
    tpu.vector_store %arg6[%swap3A_187, %swap3A_188], %swap3A_191 {strides = array<i32>} : memref<4x128xi32, #tpu.memory_space<vmem>>, vector<1x16xi32>,
    %get3A_192 = arith.constant 256 : index
    %get3A_193 = tpu.vector_load %arg5[%get3A_192] {strides = array<i32>} : memref<512xi32, #tpu.memory_space<vmem>>, vector<16xi32>,
    %get3A_194 = vector.shape_cast %get3A_193 : vector<16xi32> to vector<16xi32>
    %and3A_195 = arith.constant 262143 : i32
    %and3A_196 = vector.broadcast %and3A_195 : i32 to vector<16xi32>
    %and3A_197 = arith.andi %get3A_194, %and3A_196 : vector<16xi32>
    %swap3A_198 = arith.constant 2 : i32
    %swap3A_199 = arith.index_cast %swap3A_198 : i32 to index
    %swap3A_200 = arith.constant 0 : index
    %swap3A_201 = tpu.vector_load %arg6[%swap3A_199, %swap3A_200] {strides = array<i32>} : memref<4x128xi32, #tpu.memory_space<vmem>>, vector<1x16xi32>,
    %swap3A_202 = vector.shape_cast %swap3A_201 : vector<1x16xi32> to vector<16xi32>
    %swap3A_203 = vector.shape_cast %and3A_197 : vector<16xi32> to vector<1x16xi32>
    tpu.vector_store %arg6[%swap3A_199, %swap3A_200], %swap3A_203 {strides = array<i32>} : memref<4x128xi32, #tpu.memory_space<vmem>>, vector<1x16xi32>,
    %get3A_204 = arith.constant 272 : index
    %get3A_205 = tpu.vector_load %arg5[%get3A_204] {strides = array<i32>} : memref<512xi32, #tpu.memory_space<vmem>>, vector<16xi32>,
    %get3A_206 = vector.shape_cast %get3A_205 : vector<16xi32> to vector<16xi32>
    %and3A_207 = arith.constant 262143 : i32
    %and3A_208 = vector.broadcast %and3A_207 : i32 to vector<16xi32>
    %and3A_209 = arith.andi %get3A_206, %and3A_208 : vector<16xi32>
    %swap3A_210 = arith.constant 2 : i32
    %swap3A_211 = arith.index_cast %swap3A_210 : i32 to index
    %swap3A_212 = arith.constant 16 : index
    %swap3A_213 = tpu.vector_load %arg6[%swap3A_211, %swap3A_212] {strides = array<i32>} : memref<4x128xi32, #tpu.memory_space<vmem>>, vector<1x16xi32>,
    %swap3A_214 = vector.shape_cast %swap3A_213 : vector<1x16xi32> to vector<16xi32>
    %swap3A_215 = vector.shape_cast %and3A_209 : vector<16xi32> to vector<1x16xi32>
    tpu.vector_store %arg6[%swap3A_211, %swap3A_212], %swap3A_215 {strides = array<i32>} : memref<4x128xi32, #tpu.memory_space<vmem>>, vector<1x16xi32>,
    %get3A_216 = arith.constant 288 : index
    %get3A_217 = tpu.vector_load %arg5[%get3A_216] {strides = array<i32>} : memref<512xi32, #tpu.memory_space<vmem>>, vector<16xi32>,
    %get3A_218 = vector.shape_cast %get3A_217 : vector<16xi32> to vector<16xi32>
    %and3A_219 = arith.constant 262143 : i32
    %and3A_220 = vector.broadcast %and3A_219 : i32 to vector<16xi32>
    %and3A_221 = arith.andi %get3A_218, %and3A_220 : vector<16xi32>
    %swap3A_222 = arith.constant 2 : i32
    %swap3A_223 = arith.index_cast %swap3A_222 : i32 to index
    %swap3A_224 = arith.constant 32 : index
    %swap3A_225 = tpu.vector_load %arg6[%swap3A_223, %swap3A_224] {strides = array<i32>} : memref<4x128xi32, #tpu.memory_space<vmem>>, vector<1x16xi32>,
    %swap3A_226 = vector.shape_cast %swap3A_225 : vector<1x16xi32> to vector<16xi32>
    %swap3A_227 = vector.shape_cast %and3A_221 : vector<16xi32> to vector<1x16xi32>
    tpu.vector_store %arg6[%swap3A_223, %swap3A_224], %swap3A_227 {strides = array<i32>} : memref<4x128xi32, #tpu.memory_space<vmem>>, vector<1x16xi32>,
    %get3A_228 = arith.constant 304 : index
    %get3A_229 = tpu.vector_load %arg5[%get3A_228] {strides = array<i32>} : memref<512xi32, #tpu.memory_space<vmem>>, vector<16xi32>,
    %get3A_230 = vector.shape_cast %get3A_229 : vector<16xi32> to vector<16xi32>
    %and3A_231 = arith.constant 262143 : i32
    %and3A_232 = vector.broadcast %and3A_231 : i32 to vector<16xi32>
    %and3A_233 = arith.andi %get3A_230, %and3A_232 : vector<16xi32>
    %swap3A_234 = arith.constant 2 : i32
    %swap3A_235 = arith.index_cast %swap3A_234 : i32 to index
    %swap3A_236 = arith.constant 48 : index
    %swap3A_237 = tpu.vector_load %arg6[%swap3A_235, %swap3A_236] {strides = array<i32>} : memref<4x128xi32, #tpu.memory_space<vmem>>, vector<1x16xi32>,
    %swap3A_238 = vector.shape_cast %swap3A_237 : vector<1x16xi32> to vector<16xi32>
    %swap3A_239 = vector.shape_cast %and3A_233 : vector<16xi32> to vector<1x16xi32>
    tpu.vector_store %arg6[%swap3A_235, %swap3A_236], %swap3A_239 {strides = array<i32>} : memref<4x128xi32, #tpu.memory_space<vmem>>, vector<1x16xi32>,
    %get3A_240 = arith.constant 320 : index
    %get3A_241 = tpu.vector_load %arg5[%get3A_240] {strides = array<i32>} : memref<512xi32, #tpu.memory_space<vmem>>, vector<16xi32>,
    %get3A_242 = vector.shape_cast %get3A_241 : vector<16xi32> to vector<16xi32>
    %and3A_243 = arith.constant 262143 : i32
    %and3A_244 = vector.broadcast %and3A_243 : i32 to vector<16xi32>
    %and3A_245 = arith.andi %get3A_242, %and3A_244 : vector<16xi32>
    %swap3A_246 = arith.constant 2 : i32
    %swap3A_247 = arith.index_cast %swap3A_246 : i32 to index
    %swap3A_248 = arith.constant 64 : index
    %swap3A_249 = tpu.vector_load %arg6[%swap3A_247, %swap3A_248] {strides = array<i32>} : memref<4x128xi32, #tpu.memory_space<vmem>>, vector<1x16xi32>,
    %swap3A_250 = vector.shape_cast %swap3A_249 : vector<1x16xi32> to vector<16xi32>
    %swap3A_251 = vector.shape_cast %and3A_245 : vector<16xi32> to vector<1x16xi32>
    tpu.vector_store %arg6[%swap3A_247, %swap3A_248], %swap3A_251 {strides = array<i32>} : memref<4x128xi32, #tpu.memory_space<vmem>>, vector<1x16xi32>,
    %get3A_252 = arith.constant 336 : index
    %get3A_253 = tpu.vector_load %arg5[%get3A_252] {strides = array<i32>} : memref<512xi32, #tpu.memory_space<vmem>>, vector<16xi32>,
    %get3A_254 = vector.shape_cast %get3A_253 : vector<16xi32> to vector<16xi32>
    %and3A_255 = arith.constant 262143 : i32
    %and3A_256 = vector.broadcast %and3A_255 : i32 to vector<16xi32>
    %and3A_257 = arith.andi %get3A_254, %and3A_256 : vector<16xi32>
    %swap3A_258 = arith.constant 2 : i32
    %swap3A_259 = arith.index_cast %swap3A_258 : i32 to index
    %swap3A_260 = arith.constant 80 : index
    %swap3A_261 = tpu.vector_load %arg6[%swap3A_259, %swap3A_260] {strides = array<i32>} : memref<4x128xi32, #tpu.memory_space<vmem>>, vector<1x16xi32>,
    %swap3A_262 = vector.shape_cast %swap3A_261 : vector<1x16xi32> to vector<16xi32>
    %swap3A_263 = vector.shape_cast %and3A_257 : vector<16xi32> to vector<1x16xi32>
    tpu.vector_store %arg6[%swap3A_259, %swap3A_260], %swap3A_263 {strides = array<i32>} : memref<4x128xi32, #tpu.memory_space<vmem>>, vector<1x16xi32>,
    %get3A_264 = arith.constant 352 : index
    %get3A_265 = tpu.vector_load %arg5[%get3A_264] {strides = array<i32>} : memref<512xi32, #tpu.memory_space<vmem>>, vector<16xi32>,
    %get3A_266 = vector.shape_cast %get3A_265 : vector<16xi32> to vector<16xi32>
    %and3A_267 = arith.constant 262143 : i32
    %and3A_268 = vector.broadcast %and3A_267 : i32 to vector<16xi32>
    %and3A_269 = arith.andi %get3A_266, %and3A_268 : vector<16xi32>
    %swap3A_270 = arith.constant 2 : i32
    %swap3A_271 = arith.index_cast %swap3A_270 : i32 to index
    %swap3A_272 = arith.constant 96 : index
    %swap3A_273 = tpu.vector_load %arg6[%swap3A_271, %swap3A_272] {strides = array<i32>} : memref<4x128xi32, #tpu.memory_space<vmem>>, vector<1x16xi32>,
    %swap3A_274 = vector.shape_cast %swap3A_273 : vector<1x16xi32> to vector<16xi32>
    %swap3A_275 = vector.shape_cast %and3A_269 : vector<16xi32> to vector<1x16xi32>
    tpu.vector_store %arg6[%swap3A_271, %swap3A_272], %swap3A_275 {strides = array<i32>} : memref<4x128xi32, #tpu.memory_space<vmem>>, vector<1x16xi32>,
    %get3A_276 = arith.constant 368 : index
    %get3A_277 = tpu.vector_load %arg5[%get3A_276] {strides = array<i32>} : memref<512xi32, #tpu.memory_space<vmem>>, vector<16xi32>,
    %get3A_278 = vector.shape_cast %get3A_277 : vector<16xi32> to vector<16xi32>
    %and3A_279 = arith.constant 262143 : i32
    %and3A_280 = vector.broadcast %and3A_279 : i32 to vector<16xi32>
    %and3A_281 = arith.andi %get3A_278, %and3A_280 : vector<16xi32>
    %swap3A_282 = arith.constant 2 : i32
    %swap3A_283 = arith.index_cast %swap3A_282 : i32 to index
    %swap3A_284 = arith.constant 112 : index
    %swap3A_285 = tpu.vector_load %arg6[%swap3A_283, %swap3A_284] {strides = array<i32>} : memref<4x128xi32, #tpu.memory_space<vmem>>, vector<1x16xi32>,
    %swap3A_286 = vector.shape_cast %swap3A_285 : vector<1x16xi32> to vector<16xi32>
    %swap3A_287 = vector.shape_cast %and3A_281 : vector<16xi32> to vector<1x16xi32>
    tpu.vector_store %arg6[%swap3A_283, %swap3A_284], %swap3A_287 {strides = array<i32>} : memref<4x128xi32, #tpu.memory_space<vmem>>, vector<1x16xi32>,
    %get3A_288 = arith.constant 384 : index
    %get3A_289 = tpu.vector_load %arg5[%get3A_288] {strides = array<i32>} : memref<512xi32, #tpu.memory_space<vmem>>, vector<16xi32>,
    %get3A_290 = vector.shape_cast %get3A_289 : vector<16xi32> to vector<16xi32>
    %and3A_291 = arith.constant 262143 : i32
    %and3A_292 = vector.broadcast %and3A_291 : i32 to vector<16xi32>
    %and3A_293 = arith.andi %get3A_290, %and3A_292 : vector<16xi32>
    %swap3A_294 = arith.constant 3 : i32
    %swap3A_295 = arith.index_cast %swap3A_294 : i32 to index
    %swap3A_296 = arith.constant 0 : index
    %swap3A_297 = tpu.vector_load %arg6[%swap3A_295, %swap3A_296] {strides = array<i32>} : memref<4x128xi32, #tpu.memory_space<vmem>>, vector<1x16xi32>,
    %swap3A_298 = vector.shape_cast %swap3A_297 : vector<1x16xi32> to vector<16xi32>
    %swap3A_299 = vector.shape_cast %and3A_293 : vector<16xi32> to vector<1x16xi32>
    tpu.vector_store %arg6[%swap3A_295, %swap3A_296], %swap3A_299 {strides = array<i32>} : memref<4x128xi32, #tpu.memory_space<vmem>>, vector<1x16xi32>,
    %get3A_300 = arith.constant 400 : index
    %get3A_301 = tpu.vector_load %arg5[%get3A_300] {strides = array<i32>} : memref<512xi32, #tpu.memory_space<vmem>>, vector<16xi32>,
    %get3A_302 = vector.shape_cast %get3A_301 : vector<16xi32> to vector<16xi32>
    %and3A_303 = arith.constant 262143 : i32
    %and3A_304 = vector.broadcast %and3A_303 : i32 to vector<16xi32>
    %and3A_305 = arith.andi %get3A_302, %and3A_304 : vector<16xi32>
    %swap3A_306 = arith.constant 3 : i32
    %swap3A_307 = arith.index_cast %swap3A_306 : i32 to index
    %swap3A_308 = arith.constant 16 : index
    %swap3A_309 = tpu.vector_load %arg6[%swap3A_307, %swap3A_308] {strides = array<i32>} : memref<4x128xi32, #tpu.memory_space<vmem>>, vector<1x16xi32>,
    %swap3A_310 = vector.shape_cast %swap3A_309 : vector<1x16xi32> to vector<16xi32>
    %swap3A_311 = vector.shape_cast %and3A_305 : vector<16xi32> to vector<1x16xi32>
    tpu.vector_store %arg6[%swap3A_307, %swap3A_308], %swap3A_311 {strides = array<i32>} : memref<4x128xi32, #tpu.memory_space<vmem>>, vector<1x16xi32>,
    %get3A_312 = arith.constant 416 : index
    %get3A_313 = tpu.vector_load %arg5[%get3A_312] {strides = array<i32>} : memref<512xi32, #tpu.memory_space<vmem>>, vector<16xi32>,
    %get3A_314 = vector.shape_cast %get3A_313 : vector<16xi32> to vector<16xi32>
    %and3A_315 = arith.constant 262143 : i32
    %and3A_316 = vector.broadcast %and3A_315 : i32 to vector<16xi32>
    %and3A_317 = arith.andi %get3A_314, %and3A_316 : vector<16xi32>
    %swap3A_318 = arith.constant 3 : i32
    %swap3A_319 = arith.index_cast %swap3A_318 : i32 to index
    %swap3A_320 = arith.constant 32 : index
    %swap3A_321 = tpu.vector_load %arg6[%swap3A_319, %swap3A_320] {strides = array<i32>} : memref<4x128xi32, #tpu.memory_space<vmem>>, vector<1x16xi32>,
    %swap3A_322 = vector.shape_cast %swap3A_321 : vector<1x16xi32> to vector<16xi32>
    %swap3A_323 = vector.shape_cast %and3A_317 : vector<16xi32> to vector<1x16xi32>
    tpu.vector_store %arg6[%swap3A_319, %swap3A_320], %swap3A_323 {strides = array<i32>} : memref<4x128xi32, #tpu.memory_space<vmem>>, vector<1x16xi32>,
    %get3A_324 = arith.constant 432 : index
    %get3A_325 = tpu.vector_load %arg5[%get3A_324] {strides = array<i32>} : memref<512xi32, #tpu.memory_space<vmem>>, vector<16xi32>,
    %get3A_326 = vector.shape_cast %get3A_325 : vector<16xi32> to vector<16xi32>
    %and3A_327 = arith.constant 262143 : i32
    %and3A_328 = vector.broadcast %and3A_327 : i32 to vector<16xi32>
    %and3A_329 = arith.andi %get3A_326, %and3A_328 : vector<16xi32>
    %swap3A_330 = arith.constant 3 : i32
    %swap3A_331 = arith.index_cast %swap3A_330 : i32 to index
    %swap3A_332 = arith.constant 48 : index
    %swap3A_333 = tpu.vector_load %arg6[%swap3A_331, %swap3A_332] {strides = array<i32>} : memref<4x128xi32, #tpu.memory_space<vmem>>, vector<1x16xi32>,
    %swap3A_334 = vector.shape_cast %swap3A_333 : vector<1x16xi32> to vector<16xi32>
    %swap3A_335 = vector.shape_cast %and3A_329 : vector<16xi32> to vector<1x16xi32>
    tpu.vector_store %arg6[%swap3A_331, %swap3A_332], %swap3A_335 {strides = array<i32>} : memref<4x128xi32, #tpu.memory_space<vmem>>, vector<1x16xi32>,
    %get3A_336 = arith.constant 448 : index
    %get3A_337 = tpu.vector_load %arg5[%get3A_336] {strides = array<i32>} : memref<512xi32, #tpu.memory_space<vmem>>, vector<16xi32>,
    %get3A_338 = vector.shape_cast %get3A_337 : vector<16xi32> to vector<16xi32>
    %and3A_339 = arith.constant 262143 : i32
    %and3A_340 = vector.broadcast %and3A_339 : i32 to vector<16xi32>
    %and3A_341 = arith.andi %get3A_338, %and3A_340 : vector<16xi32>
    %swap3A_342 = arith.constant 3 : i32
    %swap3A_343 = arith.index_cast %swap3A_342 : i32 to index
    %swap3A_344 = arith.constant 64 : index
    %swap3A_345 = tpu.vector_load %arg6[%swap3A_343, %swap3A_344] {strides = array<i32>} : memref<4x128xi32, #tpu.memory_space<vmem>>, vector<1x16xi32>,
    %swap3A_346 = vector.shape_cast %swap3A_345 : vector<1x16xi32> to vector<16xi32>
    %swap3A_347 = vector.shape_cast %and3A_341 : vector<16xi32> to vector<1x16xi32>
    tpu.vector_store %arg6[%swap3A_343, %swap3A_344], %swap3A_347 {strides = array<i32>} : memref<4x128xi32, #tpu.memory_space<vmem>>, vector<1x16xi32>,
    %get3A_348 = arith.constant 464 : index
    %get3A_349 = tpu.vector_load %arg5[%get3A_348] {strides = array<i32>} : memref<512xi32, #tpu.memory_space<vmem>>, vector<16xi32>,
    %get3A_350 = vector.shape_cast %get3A_349 : vector<16xi32> to vector<16xi32>
    %and3A_351 = arith.constant 262143 : i32
    %and3A_352 = vector.broadcast %and3A_351 : i32 to vector<16xi32>
    %and3A_353 = arith.andi %get3A_350, %and3A_352 : vector<16xi32>
    %swap3A_354 = arith.constant 3 : i32
    %swap3A_355 = arith.index_cast %swap3A_354 : i32 to index
    %swap3A_356 = arith.constant 80 : index
    %swap3A_357 = tpu.vector_load %arg6[%swap3A_355, %swap3A_356] {strides = array<i32>} : memref<4x128xi32, #tpu.memory_space<vmem>>, vector<1x16xi32>,
    %swap3A_358 = vector.shape_cast %swap3A_357 : vector<1x16xi32> to vector<16xi32>
    %swap3A_359 = vector.shape_cast %and3A_353 : vector<16xi32> to vector<1x16xi32>
    tpu.vector_store %arg6[%swap3A_355, %swap3A_356], %swap3A_359 {strides = array<i32>} : memref<4x128xi32, #tpu.memory_space<vmem>>, vector<1x16xi32>,
    %get3A_360 = arith.constant 480 : index
    %get3A_361 = tpu.vector_load %arg5[%get3A_360] {strides = array<i32>} : memref<512xi32, #tpu.memory_space<vmem>>, vector<16xi32>,
    %get3A_362 = vector.shape_cast %get3A_361 : vector<16xi32> to vector<16xi32>
    %and3A_363 = arith.constant 262143 : i32
    %and3A_364 = vector.broadcast %and3A_363 : i32 to vector<16xi32>
    %and3A_365 = arith.andi %get3A_362, %and3A_364 : vector<16xi32>
    %swap3A_366 = arith.constant 3 : i32
    %swap3A_367 = arith.index_cast %swap3A_366 : i32 to index
    %swap3A_368 = arith.constant 96 : index
    %swap3A_369 = tpu.vector_load %arg6[%swap3A_367, %swap3A_368] {strides = array<i32>} : memref<4x128xi32, #tpu.memory_space<vmem>>, vector<1x16xi32>,
    %swap3A_370 = vector.shape_cast %swap3A_369 : vector<1x16xi32> to vector<16xi32>
    %swap3A_371 = vector.shape_cast %and3A_365 : vector<16xi32> to vector<1x16xi32>
    tpu.vector_store %arg6[%swap3A_367, %swap3A_368], %swap3A_371 {strides = array<i32>} : memref<4x128xi32, #tpu.memory_space<vmem>>, vector<1x16xi32>,
    %get3A_372 = arith.constant 496 : index
    %get3A_373 = tpu.vector_load %arg5[%get3A_372] {strides = array<i32>} : memref<512xi32, #tpu.memory_space<vmem>>, vector<16xi32>,
    %get3A_374 = vector.shape_cast %get3A_373 : vector<16xi32> to vector<16xi32>
    %and3A_375 = arith.constant 262143 : i32
    %and3A_376 = vector.broadcast %and3A_375 : i32 to vector<16xi32>
    %and3A_377 = arith.andi %get3A_374, %and3A_376 : vector<16xi32>
    %swap3A_378 = arith.constant 3 : i32
    %swap3A_379 = arith.index_cast %swap3A_378 : i32 to index
    %swap3A_380 = arith.constant 112 : index
    %swap3A_381 = tpu.vector_load %arg6[%swap3A_379, %swap3A_380] {strides = array<i32>} : memref<4x128xi32, #tpu.memory_space<vmem>>, vector<1x16xi32>,
    %swap3A_382 = vector.shape_cast %swap3A_381 : vector<1x16xi32> to vector<16xi32>
    %swap3A_383 = vector.shape_cast %and3A_377 : vector<16xi32> to vector<1x16xi32>
    tpu.vector_store %arg6[%swap3A_379, %swap3A_380], %swap3A_383 {strides = array<i32>} : memref<4x128xi32, #tpu.memory_space<vmem>>, vector<1x16xi32>,
    %dma_start3A = arith.constant 0 : i32
    %dma_start3A_384 = arith.constant 0 : i32
    %dma_start3A_385 = arith.constant 0 : i32
    %dma_start3A_386 = tpu.memref_slice %arg7[%dma_start3A_384, %dma_start3A_385] : memref<512x128xf32, #tpu.memory_space<vmem>> -> memref<128x128xf32, #tpu.memory_space<vmem>>
    %dma_start3A_387 = arith.constant 0 : i32
    %dma_start3A_388 = tpu.memref_slice %arg6[%dma_start3A, %dma_start3A_387] : memref<4x128xi32, #tpu.memory_space<vmem>> -> memref<1x128xi32, #tpu.memory_space<vmem>>
    %dma_start3A_389 = tpu.memref_squeeze %dma_start3A_388 : memref<1x128xi32, #tpu.memory_space<vmem>> -> memref<128xi32, #tpu.memory_space<vmem>>
    %dma_start3A_390 = arith.constant 0 : i32
    %dma_start3A_391 = arith.constant 0 : i32
    %dma_start3A_392 = tpu.memref_slice %arg2[%dma_start3A_390, %dma_start3A_391] : memref<262144x128xf32, #tpu.memory_space<hbm>> -> memref<262144x128xf32, #tpu.memory_space<hbm>>
    tpu.enqueue_indirect_dma source(%dma_start3A_392 : memref<262144x128xf32, #tpu.memory_space<hbm>>) target(%dma_start3A_386 : memref<128x128xf32, #tpu.memory_space<vmem>>) offsets(%dma_start3A_389 : memref<128xi32, #tpu.memory_space<vmem>>) semaphore(%arg8 : memref<!tpu.dma_semaphore, #tpu.memory_space<semaphore_mem>>)
    %dma_start3A_393 = arith.constant 1 : i32
    %dma_start3A_394 = arith.constant 128 : i32
    %dma_start3A_395 = arith.constant 0 : i32
    %dma_start3A_396 = tpu.memref_slice %arg7[%dma_start3A_394, %dma_start3A_395] : memref<512x128xf32, #tpu.memory_space<vmem>> -> memref<128x128xf32, #tpu.memory_space<vmem>>
    %dma_start3A_397 = arith.constant 0 : i32
    %dma_start3A_398 = tpu.memref_slice %arg6[%dma_start3A_393, %dma_start3A_397] : memref<4x128xi32, #tpu.memory_space<vmem>> -> memref<1x128xi32, #tpu.memory_space<vmem>>
    %dma_start3A_399 = tpu.memref_squeeze %dma_start3A_398 : memref<1x128xi32, #tpu.memory_space<vmem>> -> memref<128xi32, #tpu.memory_space<vmem>>
    %dma_start3A_400 = arith.constant 0 : i32
    %dma_start3A_401 = arith.constant 0 : i32
    %dma_start3A_402 = tpu.memref_slice %arg2[%dma_start3A_400, %dma_start3A_401] : memref<262144x128xf32, #tpu.memory_space<hbm>> -> memref<262144x128xf32, #tpu.memory_space<hbm>>
    tpu.enqueue_indirect_dma source(%dma_start3A_402 : memref<262144x128xf32, #tpu.memory_space<hbm>>) target(%dma_start3A_396 : memref<128x128xf32, #tpu.memory_space<vmem>>) offsets(%dma_start3A_399 : memref<128xi32, #tpu.memory_space<vmem>>) semaphore(%arg8 : memref<!tpu.dma_semaphore, #tpu.memory_space<semaphore_mem>>)
    %dma_start3A_403 = arith.constant 2 : i32
    %dma_start3A_404 = arith.constant 256 : i32
    %dma_start3A_405 = arith.constant 0 : i32
    %dma_start3A_406 = tpu.memref_slice %arg7[%dma_start3A_404, %dma_start3A_405] : memref<512x128xf32, #tpu.memory_space<vmem>> -> memref<128x128xf32, #tpu.memory_space<vmem>>
    %dma_start3A_407 = arith.constant 0 : i32
    %dma_start3A_408 = tpu.memref_slice %arg6[%dma_start3A_403, %dma_start3A_407] : memref<4x128xi32, #tpu.memory_space<vmem>> -> memref<1x128xi32, #tpu.memory_space<vmem>>
    %dma_start3A_409 = tpu.memref_squeeze %dma_start3A_408 : memref<1x128xi32, #tpu.memory_space<vmem>> -> memref<128xi32, #tpu.memory_space<vmem>>
    %dma_start3A_410 = arith.constant 0 : i32
    %dma_start3A_411 = arith.constant 0 : i32
    %dma_start3A_412 = tpu.memref_slice %arg2[%dma_start3A_410, %dma_start3A_411] : memref<262144x128xf32, #tpu.memory_space<hbm>> -> memref<262144x128xf32, #tpu.memory_space<hbm>>
    tpu.enqueue_indirect_dma source(%dma_start3A_412 : memref<262144x128xf32, #tpu.memory_space<hbm>>) target(%dma_start3A_406 : memref<128x128xf32, #tpu.memory_space<vmem>>) offsets(%dma_start3A_409 : memref<128xi32, #tpu.memory_space<vmem>>) semaphore(%arg8 : memref<!tpu.dma_semaphore, #tpu.memory_space<semaphore_mem>>)
    %dma_start3A_413 = arith.constant 3 : i32
    %dma_start3A_414 = arith.constant 384 : i32
    %dma_start3A_415 = arith.constant 0 : i32
    %dma_start3A_416 = tpu.memref_slice %arg7[%dma_start3A_414, %dma_start3A_415] : memref<512x128xf32, #tpu.memory_space<vmem>> -> memref<128x128xf32, #tpu.memory_space<vmem>>
    %dma_start3A_417 = arith.constant 0 : i32
    %dma_start3A_418 = tpu.memref_slice %arg6[%dma_start3A_413, %dma_start3A_417] : memref<4x128xi32, #tpu.memory_space<vmem>> -> memref<1x128xi32, #tpu.memory_space<vmem>>
    %dma_start3A_419 = tpu.memref_squeeze %dma_start3A_418 : memref<1x128xi32, #tpu.memory_space<vmem>> -> memref<128xi32, #tpu.memory_space<vmem>>
    %dma_start3A_420 = arith.constant 0 : i32
    %dma_start3A_421 = arith.constant 0 : i32
    %dma_start3A_422 = tpu.memref_slice %arg2[%dma_start3A_420, %dma_start3A_421] : memref<262144x128xf32, #tpu.memory_space<hbm>> -> memref<262144x128xf32, #tpu.memory_space<hbm>>
    tpu.enqueue_indirect_dma source(%dma_start3A_422 : memref<262144x128xf32, #tpu.memory_space<hbm>>) target(%dma_start3A_416 : memref<128x128xf32, #tpu.memory_space<vmem>>) offsets(%dma_start3A_419 : memref<128xi32, #tpu.memory_space<vmem>>) semaphore(%arg8 : memref<!tpu.dma_semaphore, #tpu.memory_space<semaphore_mem>>)
    %dma_wait3A = arith.constant 0 : i32
    %dma_wait3A_423 = arith.constant 0 : i32
    %dma_wait3A_424 = arith.constant 0 : i32
    %dma_wait3A_425 = tpu.memref_slice %arg7[%dma_wait3A_423, %dma_wait3A_424] : memref<512x128xf32, #tpu.memory_space<vmem>> -> memref<128x128xf32, #tpu.memory_space<vmem>>
    %dma_wait3A_426 = arith.constant 0 : i32
    %dma_wait3A_427 = tpu.memref_slice %arg6[%dma_wait3A, %dma_wait3A_426] : memref<4x128xi32, #tpu.memory_space<vmem>> -> memref<1x128xi32, #tpu.memory_space<vmem>>
    %dma_wait3A_428 = tpu.memref_squeeze %dma_wait3A_427 : memref<1x128xi32, #tpu.memory_space<vmem>> -> memref<128xi32, #tpu.memory_space<vmem>>
    %dma_wait3A_429 = arith.constant 0 : i32
    %dma_wait3A_430 = arith.constant 0 : i32
    %dma_wait3A_431 = tpu.memref_slice %arg2[%dma_wait3A_429, %dma_wait3A_430] : memref<262144x128xf32, #tpu.memory_space<hbm>> -> memref<262144x128xf32, #tpu.memory_space<hbm>>
    tpu.wait_indirect_dma semaphore(%arg8 : memref<!tpu.dma_semaphore, #tpu.memory_space<semaphore_mem>>) src(%dma_wait3A_431 : memref<262144x128xf32, #tpu.memory_space<hbm>>) dst(%dma_wait3A_425 : memref<128x128xf32, #tpu.memory_space<vmem>>)
    %dma_wait3A_432 = arith.constant 1 : i32
    %dma_wait3A_433 = arith.constant 128 : i32
    %dma_wait3A_434 = arith.constant 0 : i32
    %dma_wait3A_435 = tpu.memref_slice %arg7[%dma_wait3A_433, %dma_wait3A_434] : memref<512x128xf32, #tpu.memory_space<vmem>> -> memref<128x128xf32, #tpu.memory_space<vmem>>
    %dma_wait3A_436 = arith.constant 0 : i32
    %dma_wait3A_437 = tpu.memref_slice %arg6[%dma_wait3A_432, %dma_wait3A_436] : memref<4x128xi32, #tpu.memory_space<vmem>> -> memref<1x128xi32, #tpu.memory_space<vmem>>
    %dma_wait3A_438 = tpu.memref_squeeze %dma_wait3A_437 : memref<1x128xi32, #tpu.memory_space<vmem>> -> memref<128xi32, #tpu.memory_space<vmem>>
    %dma_wait3A_439 = arith.constant 0 : i32
    %dma_wait3A_440 = arith.constant 0 : i32
    %dma_wait3A_441 = tpu.memref_slice %arg2[%dma_wait3A_439, %dma_wait3A_440] : memref<262144x128xf32, #tpu.memory_space<hbm>> -> memref<262144x128xf32, #tpu.memory_space<hbm>>
    tpu.wait_indirect_dma semaphore(%arg8 : memref<!tpu.dma_semaphore, #tpu.memory_space<semaphore_mem>>) src(%dma_wait3A_441 : memref<262144x128xf32, #tpu.memory_space<hbm>>) dst(%dma_wait3A_435 : memref<128x128xf32, #tpu.memory_space<vmem>>)
    %dma_wait3A_442 = arith.constant 2 : i32
    %dma_wait3A_443 = arith.constant 256 : i32
    %dma_wait3A_444 = arith.constant 0 : i32
    %dma_wait3A_445 = tpu.memref_slice %arg7[%dma_wait3A_443, %dma_wait3A_444] : memref<512x128xf32, #tpu.memory_space<vmem>> -> memref<128x128xf32, #tpu.memory_space<vmem>>
    %dma_wait3A_446 = arith.constant 0 : i32
    %dma_wait3A_447 = tpu.memref_slice %arg6[%dma_wait3A_442, %dma_wait3A_446] : memref<4x128xi32, #tpu.memory_space<vmem>> -> memref<1x128xi32, #tpu.memory_space<vmem>>
    %dma_wait3A_448 = tpu.memref_squeeze %dma_wait3A_447 : memref<1x128xi32, #tpu.memory_space<vmem>> -> memref<128xi32, #tpu.memory_space<vmem>>
    %dma_wait3A_449 = arith.constant 0 : i32
    %dma_wait3A_450 = arith.constant 0 : i32
    %dma_wait3A_451 = tpu.memref_slice %arg2[%dma_wait3A_449, %dma_wait3A_450] : memref<262144x128xf32, #tpu.memory_space<hbm>> -> memref<262144x128xf32, #tpu.memory_space<hbm>>
    tpu.wait_indirect_dma semaphore(%arg8 : memref<!tpu.dma_semaphore, #tpu.memory_space<semaphore_mem>>) src(%dma_wait3A_451 : memref<262144x128xf32, #tpu.memory_space<hbm>>) dst(%dma_wait3A_445 : memref<128x128xf32, #tpu.memory_space<vmem>>)
    %dma_wait3A_452 = arith.constant 3 : i32
    %dma_wait3A_453 = arith.constant 384 : i32
    %dma_wait3A_454 = arith.constant 0 : i32
    %dma_wait3A_455 = tpu.memref_slice %arg7[%dma_wait3A_453, %dma_wait3A_454] : memref<512x128xf32, #tpu.memory_space<vmem>> -> memref<128x128xf32, #tpu.memory_space<vmem>>
    %dma_wait3A_456 = arith.constant 0 : i32
    %dma_wait3A_457 = tpu.memref_slice %arg6[%dma_wait3A_452, %dma_wait3A_456] : memref<4x128xi32, #tpu.memory_space<vmem>> -> memref<1x128xi32, #tpu.memory_space<vmem>>
    %dma_wait3A_458 = tpu.memref_squeeze %dma_wait3A_457 : memref<1x128xi32, #tpu.memory_space<vmem>> -> memref<128xi32, #tpu.memory_space<vmem>>
    %dma_wait3A_459 = arith.constant 0 : i32
    %dma_wait3A_460 = arith.constant 0 : i32
    %dma_wait3A_461 = tpu.memref_slice %arg2[%dma_wait3A_459, %dma_wait3A_460] : memref<262144x128xf32, #tpu.memory_space<hbm>> -> memref<262144x128xf32, #tpu.memory_space<hbm>>
    tpu.wait_indirect_dma semaphore(%arg8 : memref<!tpu.dma_semaphore, #tpu.memory_space<semaphore_mem>>) src(%dma_wait3A_461 : memref<262144x128xf32, #tpu.memory_space<hbm>>) dst(%dma_wait3A_455 : memref<128x128xf32, #tpu.memory_space<vmem>>)
    "tpu.region"() ({
      %run_scoped3A = tpu.sem_alloc : memref<!tpu.dma_semaphore, #tpu.memory_space<semaphore_mem>>
      %dma_start3A_462 = arith.constant 0 : i32
      %dma_start3A_463 = tpu.memref_slice %arg4[%mul3A_2, %dma_start3A_462] : memref<16384x128xf32, #tpu.memory_space<hbm>> -> memref<512x128xf32, #tpu.memory_space<hbm>>
      %dma_start3A_464 = arith.constant 0 : i32
      %dma_start3A_465 = tpu.memref_slice %arg4[%mul3A_2, %dma_start3A_464] : memref<16384x128xf32, #tpu.memory_space<hbm>> -> memref<512x128xf32, #tpu.memory_space<hbm>>
      tpu.enqueue_dma source(%arg7 : memref<512x128xf32, #tpu.memory_space<vmem>>) target(%dma_start3A_465 : memref<512x128xf32, #tpu.memory_space<hbm>>) target_semaphore(%run_scoped3A : memref<!tpu.dma_semaphore, #tpu.memory_space<semaphore_mem>>)
      %dma_wait3A_466 = arith.constant 0 : i32
      %dma_wait3A_467 = tpu.memref_slice %arg4[%mul3A_2, %dma_wait3A_466] : memref<16384x128xf32, #tpu.memory_space<hbm>> -> memref<512x128xf32, #tpu.memory_space<hbm>>
      %dma_wait3A_468 = arith.constant 0 : i32
      %dma_wait3A_469 = tpu.memref_slice %arg4[%mul3A_2, %dma_wait3A_468] : memref<16384x128xf32, #tpu.memory_space<hbm>> -> memref<512x128xf32, #tpu.memory_space<hbm>>
      tpu.wait_dma2 semaphore(%run_scoped3A : memref<!tpu.dma_semaphore, #tpu.memory_space<semaphore_mem>>) src(%arg7 : memref<512x128xf32, #tpu.memory_space<vmem>>) dst(%dma_wait3A_469 : memref<512x128xf32, #tpu.memory_space<hbm>>)
      tpu.yield
    }) : () -> ()
    return
  }
}

module attributes {stable_mosaic.version = 14 : i64} {
  func.func @_fc_body(%arg0: i32, %arg1: memref<4096x128xf32, #tpu.memory_space<vmem>>, %arg2: memref<1x4096x1xi32, #tpu.memory_space<vmem>>, %arg3: memref<256x64xf32, #tpu.memory_space<vmem>>, %arg4: memref<1x256xf32, #tpu.memory_space<vmem>>, %arg5: memref<1x256xf32, #tpu.memory_space<vmem>>, %arg6: memref<1x256xf32, #tpu.memory_space<vmem>>, %arg7: memref<4096x256xf32, #tpu.memory_space<vmem>>) attributes {dimension_semantics = [#tpu.dimension_semantics<arbitrary>], iteration_bounds = array<i64: 4>, scalar_prefetch = 0 : i64, scratch_operands = 0 : i64, tpu.core_type = #tpu.core_type<tc>, window_params = [{transform_indices = @transform_0, window_bounds = array<i64: 4096, 128>}, {transform_indices = @transform_1, window_bounds = array<i64: 1, 4096, 1>}, {pipeline_mode = #tpu.pipeline_mode<synchronous>, transform_indices = @transform_2, window_bounds = array<i64: 256, 64>}, {pipeline_mode = #tpu.pipeline_mode<synchronous>, transform_indices = @transform_3, window_bounds = array<i64: 1, 256>}, {pipeline_mode = #tpu.pipeline_mode<synchronous>, transform_indices = @transform_4, window_bounds = array<i64: 1, 256>}, {pipeline_mode = #tpu.pipeline_mode<synchronous>, transform_indices = @transform_5, window_bounds = array<i64: 1, 256>}, {transform_indices = @transform_6, window_bounds = array<i64: 4096, 256>}]} {
    %get3A = arith.constant 0 : index
    %get3A_0 = arith.constant 0 : index
    %get3A_1 = vector.load %arg1[%get3A, %get3A_0] : memref<4096x128xf32, #tpu.memory_space<vmem>>, vector<4096x128xf32>
    %get3A_2 = arith.constant 0 : index
    %get3A_3 = arith.constant 0 : index
    %get3A_4 = arith.constant 0 : index
    %get3A_5 = vector.load %arg2[%get3A_2, %get3A_3, %get3A_4] : memref<1x4096x1xi32, #tpu.memory_space<vmem>>, vector<1x4096x1xi32>
    %get3A_6 = vector.shape_cast %get3A_5 : vector<1x4096x1xi32> to vector<4096x1xi32>
    %shift_right_arithmetic3A = arith.constant 18 : i32
    %shift_right_arithmetic3A_7 = vector.broadcast %shift_right_arithmetic3A : i32 to vector<4096x1xi32>
    %shift_right_arithmetic3A_8 = arith.shrsi %get3A_6, %shift_right_arithmetic3A_7 : vector<4096x1xi32>
    %ge3A = arith.constant 2 : i32
    %ge3A_9 = vector.broadcast %ge3A : i32 to vector<4096x1xi32>
    %ge3A_10 = arith.cmpi sge, %shift_right_arithmetic3A_8, %ge3A_9 : vector<4096x1xi32>
    %slice3A = vector.extract_strided_slice %get3A_1 {offsets = [0, 64], sizes = [4096, 64], strides = [1, 1]} : vector<4096x128xf32> to vector<4096x64xf32>
    %slice3A_11 = vector.extract_strided_slice %get3A_1 {offsets = [0, 0], sizes = [4096, 64], strides = [1, 1]} : vector<4096x128xf32> to vector<4096x64xf32>
    %broadcast_in_dim3A = vector.shape_cast %ge3A_10 : vector<4096x1xi1> to vector<4096x1xi1>
    %broadcast_in_dim3A_12 = vector.broadcast %broadcast_in_dim3A : vector<4096x1xi1> to vector<4096x64xi1>
    %select_n3A = arith.select %broadcast_in_dim3A_12, %slice3A, %slice3A_11 : vector<4096x64xi1>, vector<4096x64xf32>
    %bitcast_convert_type3A = tpu.bitcast %select_n3A : vector<4096x64xf32> -> vector<4096x64xi32>
    %and3A = arith.constant 1 : i32
    %and3A_13 = vector.broadcast %and3A : i32 to vector<4096x1xi32>
    %and3A_14 = arith.andi %shift_right_arithmetic3A_8, %and3A_13 : vector<4096x1xi32>
    %eq3A = arith.constant 1 : i32
    %eq3A_15 = vector.broadcast %eq3A : i32 to vector<4096x1xi32>
    %eq3A_16 = arith.cmpi eq, %and3A_14, %eq3A_15 : vector<4096x1xi32>
    %and3A_17 = arith.constant -65536 : i32
    %and3A_18 = vector.broadcast %and3A_17 : i32 to vector<4096x64xi32>
    %and3A_19 = arith.andi %bitcast_convert_type3A, %and3A_18 : vector<4096x64xi32>
    %shift_left3A = arith.constant 16 : i32
    %shift_left3A_20 = vector.broadcast %shift_left3A : i32 to vector<4096x64xi32>
    %shift_left3A_21 = arith.shli %bitcast_convert_type3A, %shift_left3A_20 : vector<4096x64xi32>
    %broadcast_in_dim3A_22 = vector.shape_cast %eq3A_16 : vector<4096x1xi1> to vector<4096x1xi1>
    %broadcast_in_dim3A_23 = vector.broadcast %broadcast_in_dim3A_22 : vector<4096x1xi1> to vector<4096x64xi1>
    %select_n3A_24 = arith.select %broadcast_in_dim3A_23, %and3A_19, %shift_left3A_21 : vector<4096x64xi1>, vector<4096x64xi32>
    %bitcast_convert_type3A_25 = tpu.bitcast %select_n3A_24 : vector<4096x64xi32> -> vector<4096x64xf32>
    %get3A_26 = arith.constant 0 : index
    %get3A_27 = arith.constant 0 : index
    %get3A_28 = vector.load %arg3[%get3A_26, %get3A_27] : memref<256x64xf32, #tpu.memory_space<vmem>>, vector<256x64xf32>
    %dot_general3A = arith.constant dense<0.000000e+00> : vector<4096x256xf32>
    %dot_general3A_29 = tpu.matmul %bitcast_convert_type3A_25, %get3A_28, %dot_general3A {dimension_numbers = #tpu.dot_dimension_numbers<[1], [1], [0], [0], [0, 0, 1, 0], [], []>, transpose_lhs_hint = false} : vector<4096x64xf32>, vector<256x64xf32>, vector<4096x256xf32> -> vector<4096x256xf32>
    %get3A_30 = arith.constant 0 : index
    %get3A_31 = arith.constant 0 : index
    %get3A_32 = vector.load %arg4[%get3A_30, %get3A_31] : memref<1x256xf32, #tpu.memory_space<vmem>>, vector<1x256xf32>
    %add3A = vector.broadcast %get3A_32 : vector<1x256xf32> to vector<4096x256xf32>
    %add3A_33 = arith.addf %dot_general3A_29, %add3A : vector<4096x256xf32>
    %max3A = arith.constant 0.000000e+00 : f32
    %max3A_34 = vector.broadcast %max3A : f32 to vector<4096x256xf32>
    %max3A_35 = arith.maximumf %add3A_33, %max3A_34 : vector<4096x256xf32>
    %reduce_sum3A = arith.constant dense<0.000000e+00> : vector<4096xf32>
    %reduce_sum3A_36 = vector.multi_reduction <add>, %max3A_35, %reduce_sum3A [1] : vector<4096x256xf32> to vector<4096xf32>
    %broadcast_in_dim3A_37 = vector.shape_cast %reduce_sum3A_36 : vector<4096xf32> to vector<4096x1xf32>
    %div3A = arith.constant 2.560000e+02 : f32
    %div3A_38 = vector.broadcast %div3A : f32 to vector<4096x1xf32>
    %div3A_39 = arith.divf %broadcast_in_dim3A_37, %div3A_38 : vector<4096x1xf32>
    %sub3A = vector.broadcast %div3A_39 : vector<4096x1xf32> to vector<4096x256xf32>
    %sub3A_40 = arith.subf %max3A_35, %sub3A : vector<4096x256xf32>
    %mul3A = arith.mulf %sub3A_40, %sub3A_40 : vector<4096x256xf32>
    %reduce_sum3A_41 = arith.constant dense<0.000000e+00> : vector<4096xf32>
    %reduce_sum3A_42 = vector.multi_reduction <add>, %mul3A, %reduce_sum3A_41 [1] : vector<4096x256xf32> to vector<4096xf32>
    %broadcast_in_dim3A_43 = vector.shape_cast %reduce_sum3A_42 : vector<4096xf32> to vector<4096x1xf32>
    %div3A_44 = arith.constant 2.560000e+02 : f32
    %div3A_45 = vector.broadcast %div3A_44 : f32 to vector<4096x1xf32>
    %div3A_46 = arith.divf %broadcast_in_dim3A_43, %div3A_45 : vector<4096x1xf32>
    %add3A_47 = arith.constant 9.99999974E-6 : f32
    %add3A_48 = vector.broadcast %add3A_47 : f32 to vector<4096x1xf32>
    %add3A_49 = arith.addf %div3A_46, %add3A_48 : vector<4096x1xf32>
    %rsqrt3A = math.rsqrt %add3A_49 : vector<4096x1xf32>
    %mul3A_50 = vector.broadcast %rsqrt3A : vector<4096x1xf32> to vector<4096x256xf32>
    %mul3A_51 = arith.mulf %sub3A_40, %mul3A_50 : vector<4096x256xf32>
    %get3A_52 = arith.constant 0 : index
    %get3A_53 = arith.constant 0 : index
    %get3A_54 = vector.load %arg5[%get3A_52, %get3A_53] : memref<1x256xf32, #tpu.memory_space<vmem>>, vector<1x256xf32>
    %mul3A_55 = vector.broadcast %get3A_54 : vector<1x256xf32> to vector<4096x256xf32>
    %mul3A_56 = arith.mulf %mul3A_51, %mul3A_55 : vector<4096x256xf32>
    %get3A_57 = arith.constant 0 : index
    %get3A_58 = arith.constant 0 : index
    %get3A_59 = vector.load %arg6[%get3A_57, %get3A_58] : memref<1x256xf32, #tpu.memory_space<vmem>>, vector<1x256xf32>
    %add3A_60 = vector.broadcast %get3A_59 : vector<1x256xf32> to vector<4096x256xf32>
    %add3A_61 = arith.addf %mul3A_56, %add3A_60 : vector<4096x256xf32>
    %swap3A = arith.constant 0 : index
    %swap3A_62 = arith.constant 0 : index
    %swap3A_63 = vector.load %arg7[%swap3A, %swap3A_62] : memref<4096x256xf32, #tpu.memory_space<vmem>>, vector<4096x256xf32>
    tpu.vector_store %arg7[%swap3A, %swap3A_62], %add3A_61 {strides = array<i32>} : memref<4096x256xf32, #tpu.memory_space<vmem>>, vector<4096x256xf32>,
    return
  }
  func.func @transform_0(%arg0: i32) -> (i32, i32) {
    %c0_i32 = arith.constant 0 : i32
    %c0_i32_0 = arith.constant 0 : i32
    return %arg0, %c0_i32 : i32, i32
  }
  func.func @transform_1(%arg0: i32) -> (i32, i32, i32) {
    %c0_i32 = arith.constant 0 : i32
    %c0_i32_0 = arith.constant 0 : i32
    %c0_i32_1 = arith.constant 0 : i32
    return %arg0, %c0_i32, %c0_i32_0 : i32, i32, i32
  }
  func.func @transform_2(%arg0: i32) -> (i32, i32) {
    %c0_i32 = arith.constant 0 : i32
    %c0_i32_0 = arith.constant 0 : i32
    %c0_i32_1 = arith.constant 0 : i32
    return %c0_i32, %c0_i32_0 : i32, i32
  }
  func.func @transform_3(%arg0: i32) -> (i32, i32) {
    %c0_i32 = arith.constant 0 : i32
    %c0_i32_0 = arith.constant 0 : i32
    %c0_i32_1 = arith.constant 0 : i32
    return %c0_i32, %c0_i32_0 : i32, i32
  }
  func.func @transform_4(%arg0: i32) -> (i32, i32) {
    %c0_i32 = arith.constant 0 : i32
    %c0_i32_0 = arith.constant 0 : i32
    %c0_i32_1 = arith.constant 0 : i32
    return %c0_i32, %c0_i32_0 : i32, i32
  }
  func.func @transform_5(%arg0: i32) -> (i32, i32) {
    %c0_i32 = arith.constant 0 : i32
    %c0_i32_0 = arith.constant 0 : i32
    %c0_i32_1 = arith.constant 0 : i32
    return %c0_i32, %c0_i32_0 : i32, i32
  }
  func.func @transform_6(%arg0: i32) -> (i32, i32) {
    %c0_i32 = arith.constant 0 : i32
    %c0_i32_0 = arith.constant 0 : i32
    return %arg0, %c0_i32 : i32, i32
  }
}

module attributes {stable_mosaic.version = 14 : i64} {
  func.func @_pack_body(%arg0: i32, %arg1: memref<64x16384xf32, #tpu.memory_space<vmem>>, %arg2: memref<64x16384xf32, #tpu.memory_space<vmem>>, %arg3: memref<64x16384xf32, #tpu.memory_space<vmem>>, %arg4: memref<64x16384xf32, #tpu.memory_space<vmem>>, %arg5: memref<64x64xbf16, #tpu.memory_space<vmem>>, %arg6: memref<16384x128xf32, #tpu.memory_space<vmem>>) attributes {dimension_semantics = [#tpu.dimension_semantics<arbitrary>], iteration_bounds = array<i64: 16>, scalar_prefetch = 0 : i64, scratch_operands = 0 : i64, tpu.core_type = #tpu.core_type<tc>, window_params = [{transform_indices = @transform_0, window_bounds = array<i64: 64, 16384>}, {transform_indices = @transform_1, window_bounds = array<i64: 64, 16384>}, {transform_indices = @transform_2, window_bounds = array<i64: 64, 16384>}, {transform_indices = @transform_3, window_bounds = array<i64: 64, 16384>}, {pipeline_mode = #tpu.pipeline_mode<synchronous>, transform_indices = @transform_4, window_bounds = array<i64: 64, 64>}, {transform_indices = @transform_5, window_bounds = array<i64: 16384, 128>}]} {
    %get3A = arith.constant 0 : index
    %get3A_0 = arith.constant 0 : index
    %get3A_1 = vector.load %arg5[%get3A, %get3A_0] : memref<64x64xbf16, #tpu.memory_space<vmem>>, vector<64x64xbf16>
    %get3A_2 = arith.constant 0 : index
    %get3A_3 = arith.constant 0 : index
    %get3A_4 = vector.load %arg1[%get3A_2, %get3A_3] : memref<64x16384xf32, #tpu.memory_space<vmem>>, vector<64x16384xf32>
    %convert_element_type3A = arith.truncf %get3A_4 : vector<64x16384xf32> to vector<64x16384xbf16>
    %dot_general3A = arith.constant dense<0.000000e+00> : vector<16384x64xf32>
    %dot_general3A_5 = tpu.matmul %convert_element_type3A, %get3A_1, %dot_general3A {dimension_numbers = #tpu.dot_dimension_numbers<[0], [0], [1], [1], [0, 1, 1, 1], [], []>, transpose_lhs_hint = true} : vector<64x16384xbf16>, vector<64x64xbf16>, vector<16384x64xf32> -> vector<16384x64xf32>
    %get3A_6 = arith.constant 0 : index
    %get3A_7 = arith.constant 0 : index
    %get3A_8 = vector.load %arg2[%get3A_6, %get3A_7] : memref<64x16384xf32, #tpu.memory_space<vmem>>, vector<64x16384xf32>
    %convert_element_type3A_9 = arith.truncf %get3A_8 : vector<64x16384xf32> to vector<64x16384xbf16>
    %dot_general3A_10 = arith.constant dense<0.000000e+00> : vector<16384x64xf32>
    %dot_general3A_11 = tpu.matmul %convert_element_type3A_9, %get3A_1, %dot_general3A_10 {dimension_numbers = #tpu.dot_dimension_numbers<[0], [0], [1], [1], [0, 1, 1, 1], [], []>, transpose_lhs_hint = true} : vector<64x16384xbf16>, vector<64x64xbf16>, vector<16384x64xf32> -> vector<16384x64xf32>
    %convert_element_type3A_12 = arith.truncf %dot_general3A_5 : vector<16384x64xf32> to vector<16384x64xbf16>
    %bitcast_convert_type3A = tpu.bitcast %convert_element_type3A_12 : vector<16384x64xbf16> -> vector<16384x64xi16>
    %convert_element_type3A_13 = arith.extui %bitcast_convert_type3A : vector<16384x64xi16> to vector<16384x64xi32>
    %convert_element_type3A_14 = arith.truncf %dot_general3A_11 : vector<16384x64xf32> to vector<16384x64xbf16>
    %bitcast_convert_type3A_15 = tpu.bitcast %convert_element_type3A_14 : vector<16384x64xbf16> -> vector<16384x64xi16>
    %convert_element_type3A_16 = arith.extui %bitcast_convert_type3A_15 : vector<16384x64xi16> to vector<16384x64xi32>
    %shift_left3A = arith.constant 16 : i32
    %shift_left3A_17 = vector.broadcast %shift_left3A : i32 to vector<16384x64xi32>
    %shift_left3A_18 = arith.shli %convert_element_type3A_16, %shift_left3A_17 : vector<16384x64xi32>
    %or3A = arith.ori %shift_left3A_18, %convert_element_type3A_13 : vector<16384x64xi32>
    %bitcast_convert_type3A_19 = tpu.bitcast %or3A : vector<16384x64xi32> -> vector<16384x64xf32>
    %get3A_20 = arith.constant 0 : index
    %get3A_21 = arith.constant 0 : index
    %get3A_22 = vector.load %arg3[%get3A_20, %get3A_21] : memref<64x16384xf32, #tpu.memory_space<vmem>>, vector<64x16384xf32>
    %convert_element_type3A_23 = arith.truncf %get3A_22 : vector<64x16384xf32> to vector<64x16384xbf16>
    %dot_general3A_24 = arith.constant dense<0.000000e+00> : vector<16384x64xf32>
    %dot_general3A_25 = tpu.matmul %convert_element_type3A_23, %get3A_1, %dot_general3A_24 {dimension_numbers = #tpu.dot_dimension_numbers<[0], [0], [1], [1], [0, 1, 1, 1], [], []>, transpose_lhs_hint = true} : vector<64x16384xbf16>, vector<64x64xbf16>, vector<16384x64xf32> -> vector<16384x64xf32>
    %get3A_26 = arith.constant 0 : index
    %get3A_27 = arith.constant 0 : index
    %get3A_28 = vector.load %arg4[%get3A_26, %get3A_27] : memref<64x16384xf32, #tpu.memory_space<vmem>>, vector<64x16384xf32>
    %convert_element_type3A_29 = arith.truncf %get3A_28 : vector<64x16384xf32> to vector<64x16384xbf16>
    %dot_general3A_30 = arith.constant dense<0.000000e+00> : vector<16384x64xf32>
    %dot_general3A_31 = tpu.matmul %convert_element_type3A_29, %get3A_1, %dot_general3A_30 {dimension_numbers = #tpu.dot_dimension_numbers<[0], [0], [1], [1], [0, 1, 1, 1], [], []>, transpose_lhs_hint = true} : vector<64x16384xbf16>, vector<64x64xbf16>, vector<16384x64xf32> -> vector<16384x64xf32>
    %convert_element_type3A_32 = arith.truncf %dot_general3A_25 : vector<16384x64xf32> to vector<16384x64xbf16>
    %bitcast_convert_type3A_33 = tpu.bitcast %convert_element_type3A_32 : vector<16384x64xbf16> -> vector<16384x64xi16>
    %convert_element_type3A_34 = arith.extui %bitcast_convert_type3A_33 : vector<16384x64xi16> to vector<16384x64xi32>
    %convert_element_type3A_35 = arith.truncf %dot_general3A_31 : vector<16384x64xf32> to vector<16384x64xbf16>
    %bitcast_convert_type3A_36 = tpu.bitcast %convert_element_type3A_35 : vector<16384x64xbf16> -> vector<16384x64xi16>
    %convert_element_type3A_37 = arith.extui %bitcast_convert_type3A_36 : vector<16384x64xi16> to vector<16384x64xi32>
    %shift_left3A_38 = arith.constant 16 : i32
    %shift_left3A_39 = vector.broadcast %shift_left3A_38 : i32 to vector<16384x64xi32>
    %shift_left3A_40 = arith.shli %convert_element_type3A_37, %shift_left3A_39 : vector<16384x64xi32>
    %or3A_41 = arith.ori %shift_left3A_40, %convert_element_type3A_34 : vector<16384x64xi32>
    %bitcast_convert_type3A_42 = tpu.bitcast %or3A_41 : vector<16384x64xi32> -> vector<16384x64xf32>
    %concatenate3A = tpu.concatenate %bitcast_convert_type3A_19, %bitcast_convert_type3A_42 in 1 : vector<16384x64xf32>, vector<16384x64xf32> -> vector<16384x128xf32>
    %swap3A = arith.constant 0 : index
    %swap3A_43 = arith.constant 0 : index
    %swap3A_44 = vector.load %arg6[%swap3A, %swap3A_43] : memref<16384x128xf32, #tpu.memory_space<vmem>>, vector<16384x128xf32>
    tpu.vector_store %arg6[%swap3A, %swap3A_43], %concatenate3A {strides = array<i32>} : memref<16384x128xf32, #tpu.memory_space<vmem>>, vector<16384x128xf32>,
    return
  }
  func.func @transform_0(%arg0: i32) -> (i32, i32) {
    %add3A = arith.constant 0 : i32
    %add3A_0 = arith.addi %add3A, %arg0 : i32
    %min3A = arith.constant 61 : i32
    %min3A_1 = arith.minsi %add3A_0, %min3A : i32
    %c0_i32 = arith.constant 0 : i32
    %c0_i32_2 = arith.constant 0 : i32
    return %c0_i32, %min3A_1 : i32, i32
  }
  func.func @transform_1(%arg0: i32) -> (i32, i32) {
    %add3A = arith.constant 16 : i32
    %add3A_0 = arith.addi %add3A, %arg0 : i32
    %min3A = arith.constant 61 : i32
    %min3A_1 = arith.minsi %add3A_0, %min3A : i32
    %c0_i32 = arith.constant 0 : i32
    %c0_i32_2 = arith.constant 0 : i32
    return %c0_i32, %min3A_1 : i32, i32
  }
  func.func @transform_2(%arg0: i32) -> (i32, i32) {
    %add3A = arith.constant 32 : i32
    %add3A_0 = arith.addi %add3A, %arg0 : i32
    %min3A = arith.constant 61 : i32
    %min3A_1 = arith.minsi %add3A_0, %min3A : i32
    %c0_i32 = arith.constant 0 : i32
    %c0_i32_2 = arith.constant 0 : i32
    return %c0_i32, %min3A_1 : i32, i32
  }
  func.func @transform_3(%arg0: i32) -> (i32, i32) {
    %add3A = arith.constant 48 : i32
    %add3A_0 = arith.addi %add3A, %arg0 : i32
    %min3A = arith.constant 61 : i32
    %min3A_1 = arith.minsi %add3A_0, %min3A : i32
    %c0_i32 = arith.constant 0 : i32
    %c0_i32_2 = arith.constant 0 : i32
    return %c0_i32, %min3A_1 : i32, i32
  }
  func.func @transform_4(%arg0: i32) -> (i32, i32) {
    %c0_i32 = arith.constant 0 : i32
    %c0_i32_0 = arith.constant 0 : i32
    %c0_i32_1 = arith.constant 0 : i32
    return %c0_i32, %c0_i32_0 : i32, i32
  }
  func.func @transform_5(%arg0: i32) -> (i32, i32) {
    %c0_i32 = arith.constant 0 : i32
    %c0_i32_0 = arith.constant 0 : i32
    return %arg0, %c0_i32 : i32, i32
  }
}

</mosaic_0001>

<sc_bundles>
// kernel: kernel.5.cloned.1.call-start
scs
__scs_entry_jumppad:
0x0: {  	(pc) =	sbr.rel $0x88, $3  }
0x1: {  	(tag) =	ssettag $0x0;
	lr =	simm.s32 $0x1  }
0x2: {  	[smem:$0x3F9B] =	sst lr;
	_ =	strace $0xD0000000  }
0x3: {  	_ = 	snop  }
0x4: {  	_ = 	snop  }
0x5: {  	_ = 	snop  }
0x6: {  	_ = 	snop  }
0x7: {  	_ = 	snop  }
__scs_overlays_trampoline_lowered:
0x8: {  	[smem:$0x3FAA] =	sst s0  }
0x9: {  	[smem:$0x3FAB] =	sst s1  }
0xa: {  	[smem:$0x3FAC] =	sst s2  }
0xb: {  	[smem:$0x3FAD] =	sst s3  }
0xc: {  	[smem:$0x3FAE] =	sst s4  }
0xd: {  	[smem:$0x3FAF] =	sst s5  }
0xe: {  	[smem:$0x3FB0] =	sst s6  }
0xf: {  	[smem:$0x3FB1] =	sst s7  }
0x10: {  	[smem:$0x3FB2] =	sst s8  }
0x11: {  	[smem:$0x3FB3] =	sst s9;
	s0 =	simm.s32 @!p0 $0x0  }
0x12: {  	s1 =	sld [smem:$0x3F99];
	s0 =	simm.s32 @p0 $0x1  }
0x13: {  	[smem:$0x3FB4] =	sst s0;
	s0 =	simm.s32 @!p1 $0x0  }
0x14: {  	s2 =	sld [smem:$0x3F98];
	s0 =	simm.s32 @p1 $0x1  }
0x15: {  	[smem:$0x3FB5] =	sst s0;
	s0 =	simm.s32 @!p2 $0x0  }
0x16: {  	s3 =	sld [smem:$0x3FDB];
	s0 =	simm.s32 @p2 $0x1  }
0x17: {  	s4 =	simm.s32 $0x1BF5;
	[smem:$0x3FB7] =	sst s0  }
0x18: {  	s0 =	sld [smem:$0x3F9A];
	_ =	swait.ge [sflag:s4], $0x0  }
0x19: {  	s7 =	sld [smem:$0x3F9B]  }
0x1a: {  	s8 =	sadd.s32 $0xFFFFE003, lr  }
0x1b: {  	s9 =	sadd.s32 $0xFFFFFEF7, lr;
	s5 =	simm.s32 $0xFFFFFFFF;
	p2 =	slt.u32 s8, $0xFFFFF086  }
0x1c: {  	p1 =	slt.u32 s9, $0xF7A;
	s5 =	simm.s32 @!p2 $0x0  }
0x1d: {  	s5 =	simm.s32 @p1 $0x1;
	p0 =	seq.s32 s7, s2  }
0x1e: {  	s7 =	smul.u32 @!p0 $0xF7A, s2;
	p2 =	seq.s32 @!p0 s5, $0x0  }
0x1f: {  	s9 =	smul.u32 $0xF7A, s1;
	s8 =	simm.s32 @!p0 $0x1BF5;
	p2 =	por !p2, p0  }
0x20: {  	[sflag:s8] =	ssyncset.s32 @!p0 $0xFFFFF086;
	s6 =	sadd.s32 @!p0 s3, s7;
	s7 =	simm.s32 @!p0 $0x108  }
0x21: {  	s3 =	sadd.s32 s3, s9;
	s6 =	sadd.s32 @!p0 $0x88, s6;
	s7 =	simm.s32 @p2 $0x1082  }
0x22: {  	[simem:s7], [sflag:s8] =	dma.local @!p0 [hbm:s6], $0xF7A  }
0x23: {  	s9 =	sor.u32 $0xD0000000, s2;
	s6 =	simm.s32 $0x108;
	_ =	swait.ge @!p0 [sflag:s8], $0x0  }
0x24: {  	s3 =	sadd.s32 $0x88, s3;
	s6 =	simm.s32 @!p1 $0x1082;
	[sflag:s4] =	ssyncset.s32 $0xFFFFF086  }
0x25: {  	[simem:s6], [sflag:s4] =	dma.local [hbm:s3], $0xF7A  }
0x26: {  	[smem:$0x3F9B] =	sst s1;
	(tag) =	ssettag s2;
	_ =	strace s9  }
0x27: {  	s1 =	sld [smem:$0x3FAB]  }
0x28: {  	s2 =	sld [smem:$0x3FAC]  }
0x29: {  	s4 =	sld [smem:$0x3FAE]  }
0x2a: {  	p0 =	seq.s32 s5, $0x0;
	s5 =	sld [smem:$0x3FAF]  }
0x2b: {  	s6 =	sld [smem:$0x3FB0]  }
0x2c: {  	s7 =	sld [smem:$0x3FB1]  }
0x2d: {  	s3 =	simm.s32 $0x108;
	s8 =	sld [smem:$0x3FB2]  }
0x2e: {  	s3 =	simm.s32 @!p0 $0x1082;
	s9 =	sld [smem:$0x3FB3]  }
0x2f: {  	lr =	sadd.s32 s0, s3;
	s0 =	sld [smem:$0x3FAA]  }
0x30: {  	s3 =	sld [smem:$0x3FAD]  }
0x31: {  	[smem:$0x3FB6] =	sst s10  }
0x32: {  	s10 =	sld [smem:$0x3FB4];
	_ =	sdelay $0x3  }
0x33: {  	p0 =	seq.s32 s10, $0x1;
	s10 =	sld [smem:$0x3FB6];
	_ =	sdelay $0x3  }
0x34: {  	[smem:$0x3FB6] =	sst s10  }
0x35: {  	s10 =	sld [smem:$0x3FB5];
	_ =	sdelay $0x3  }
0x36: {  	p1 =	seq.s32 s10, $0x1;
	s10 =	sld [smem:$0x3FB6];
	_ =	sdelay $0x3  }
0x37: {  	[smem:$0x3FB6] =	sst s10  }
0x38: {  	s10 =	sld [smem:$0x3FB7]  }
0x39: {  	_ = 	snop;
	(pc) =	sbr.ind lr, $3  }
0x3a: {  	_ = 	snop  }
0x3b: {  	_ = 	snop  }
0x3c: {  	p2 =	seq.s32 s10, $0x1;
	s10 =	sld [smem:$0x3FB6]  }
0x3d: {  	_ =	shalt  }
0x3e: {  	_ =	shalt  }
0x3f: {  	_ =	shalt  }
0x40: {  	_ =	shalt  }
0x41: {  	_ =	shalt  }
0x42: {  	_ =	shalt  }
0x43: {  	_ =	shalt  }
0x44: {  	_ =	shalt  }
0x45: {  	_ =	shalt  }
0x46: {  	_ =	shalt  }
0x47: {  	_ =	shalt  }
0x48: {  	_ =	shalt  }
0x49: {  	_ =	shalt  }
0x4a: {  	_ =	shalt  }
0x4b: {  	_ =	shalt  }
0x4c: {  	_ =	shalt  }
0x4d: {  	_ =	shalt  }
0x4e: {  	_ =	shalt  }
0x4f: {  	_ =	shalt  }
0x50: {  	_ =	shalt  }
0x51: {  	_ =	shalt  }
0x52: {  	_ =	shalt  }
0x53: {  	_ =	shalt  }
0x54: {  	_ =	shalt  }
0x55: {  	_ =	shalt  }
0x56: {  	_ =	shalt  }
0x57: {  	_ =	shalt  }
0x58: {  	_ =	shalt  }
0x59: {  	_ =	shalt  }
0x5a: {  	_ =	shalt  }
0x5b: {  	_ =	shalt  }
0x5c: {  	_ =	shalt  }
0x5d: {  	_ =	shalt  }
0x5e: {  	_ =	shalt  }
0x5f: {  	_ =	shalt  }
0x60: {  	_ =	shalt  }
0x61: {  	_ =	shalt  }
0x62: {  	_ =	shalt  }
0x63: {  	_ =	shalt  }
0x64: {  	_ =	shalt  }
0x65: {  	_ =	shalt  }
0x66: {  	_ =	shalt  }
0x67: {  	_ =	shalt  }
0x68: {  	_ =	shalt  }
0x69: {  	_ =	shalt  }
0x6a: {  	_ =	shalt  }
0x6b: {  	_ =	shalt  }
0x6c: {  	_ =	shalt  }
0x6d: {  	_ =	shalt  }
0x6e: {  	_ =	shalt  }
0x6f: {  	_ =	shalt  }
0x70: {  	_ =	shalt  }
0x71: {  	_ =	shalt  }
0x72: {  	_ =	shalt  }
0x73: {  	_ =	shalt  }
0x74: {  	_ =	shalt  }
0x75: {  	_ =	shalt  }
0x76: {  	_ =	shalt  }
0x77: {  	_ =	shalt  }
0x78: {  	_ =	shalt  }
0x79: {  	_ =	shalt  }
0x7a: {  	_ =	shalt  }
0x7b: {  	_ =	shalt  }
0x7c: {  	_ =	shalt  }
0x7d: {  	_ =	shalt  }
0x7e: {  	_ =	shalt  }
0x7f: {  	_ =	shalt  }
0x80: {  	_ =	shalt  }
0x81: {  	_ =	shalt  }
0x82: {  	_ =	shalt  }
0x83: {  	_ =	shalt  }
0x84: {  	_ =	shalt  }
0x85: {  	_ =	shalt  }
0x86: {  	_ =	shalt  }
0x87: {  	_ =	shalt  }
.Lfunc_end0:
.L_simem_size_0:
called_computation_lowered:
.L_overlay_start_0:
0x88: {  	s2 =	sld [smem:$0x3FD9]  }
0x89: {  	s3 =	sld [smem:$0x3FFE];
	_ =	sdelay $0x1  }
0x8a: {  	s1 =	srdreg.scid  }
0x8b: {  	s0 =	sand.u32 $0x1, s1  }
0x8c: {  	s17 =	sshll.u32 s0, $0xA;
	s2 =	sadd.s32 s3, s2  }
0x8d: {  	s2 =	sadd.s32 s2, s17  }
0x8e: {  	[smem:$0x3FC2] =	sst s2  }
0x8f: {  	_ = 	snop  }
0x90: {  	s2 =	sld [smem:$0x3FC9]  }
0x91: {  	s18 =	sld [smem:$0x3FD0];
	(tm) =	ssettm $0x1  }
0x92: {  	s4 =	sld [smem:$0x3FFB];
	_ =	sdelay $0x3  }
0x93: {  	_ =	strace s4  }
0x94: {  	s4 =	sld [smem:$0x3FFC];
	_ =	sdelay $0x3  }
0x95: {  	_ =	strace s4  }
0x96: {  	s4 =	sld [smem:$0x3FFD];
	_ =	sdelay $0x3  }
0x97: {  	_ =	strace s4  }
0x98: {  	_ =	strace $0x8FFFFFFF  }
0x99: {  	s19 =	sld [smem:$0x3FDB];
	_ =	sdelay $0x1  }
0x9a: {  	s5 =	simm.s32 $_scs_section_size  }
0x9b: {  	s6 =	simm.s32 $_size__tile_overlayer_lowered;
	s7 =	simm.s32 $_tile_overlayer_lowered  }
0x9c: {  	s22 =	simm.s32 $0x1BFF;
	s21 =	sshll.u32 s7, $0x1;
	s4 =	sadd.s32 s5, s19  }
0x9d: {  	s8 =	simm.s32 $0x0;
	s20 =	sshll.u32 s6, $0x1;
	s6 =	sadd.s32 s21, s4  }
0x9e: {  	[timem:s8], [sflag:s22] =	dma.local [hbm:s6], s20  }
0x9f: {  	_ =	swait.ge [sflag:s22], s20  }
0xa0: {  	s5 =	ssub.s32 $0x0, s20;
	[sflag:s22] =	ssyncset.done $0x0  }
0xa1: {  	[sflag:s22] =	ssyncadd.s32 s5;
	_ =	sdelay $0x1  }
0xa2: {  	s23 =	simm.s32 $0x1B8B  }
0xa3: {  	_ =	swait.ge [sflag:s23], $0x1  }
0xa4: {  	[sflag:s23] =	ssyncset.done $0x0  }
0xa5: {  	s25 =	simm.s32 $0x1B8E;
	s24 =	sld [smem:$0x3FFE];
	[sflag:s23] =	ssyncadd.s32 $0xFFFFFFFF  }
0xa6: {  	s26 =	simm.s32 $execute0_lowered;
	[smem:$0x3FD2] =	sst s25  }
0xa7: {  	s6 =	sshll.u32 s26, $0x1;
	_ =	strace $0x80000046;
	[dreg:$0x1] =	wrdreg $0xFFFFFFFF  }
0xa8: {  	s28 =	simm.s32 $_size_execute0_lowered;
	s4 =	sadd.s32 s4, s6;
	[dreg:$0x0] =	wrdreg $0x0  }
0xa9: {  	s6 =	sshll.u32 s28, $0x1;
	[dreg:$0x2] =	wrdreg s4  }
0xaa: {  	[dreg:$0x3] =	wrdreg s6  }
0xab: {  	[dreg:$0x4] =	wrdreg $0xC0  }
0xac: {  	_ =	task [dreg:s8], $0x5FFFF  }
0xad: {  	[dreg:$0x1] =	wrdreg $0xFFFFFFFF  }
0xae: {  	[dreg:$0x0] =	wrdreg $0x60  }
0xaf: {  	[dreg:$0x2] =	wrdreg s24  }
0xb0: {  	[dreg:$0x3] =	wrdreg s2  }
0xb1: {  	[dreg:$0x4] =	wrdreg s18  }
0xb2: {  	[dreg:$0x5] =	wrdreg $0x9  }
0xb3: {  	_ =	task.clear_ibuf [dreg:s8], $0x6FFFF;
	_ =	strace $0x90000046  }
0xb4: {  	s29 =	simm.s32 $0x9;
	_ =	strace $0x80000048  }
0xb5: {  	_ =	swait.ge [sflag:s29], $0x1  }
0xb6: {  	[sflag:s29] =	ssyncadd.s32 $0xFFFFFFFF  }
0xb7: {  	_ =	strace $0x90000048  }
0xb8: {  	_ =	sfence  }
0xb9: {  	s30 =	sld [smem:$0x0];
	_ =	sdelay $0x2  }
0xba: {  	s31 =	sshll.u32 s1, $0xD;
	s1 =	sshrl.u32 s1, $0x2  }
0xbb: {  	s3 =	sand.u32 $0x4000, s31;
	s1 =	sadd.s32 s1, s30  }
0xbc: {  	s0 =	sor.u32 s3, s0;
	s1 =	sshll.u32 s1, $0x11  }
0xbd: {  	s0 =	sor.u32 s1, s0  }
0xbe: {  	s0 =	sadd.s32 $0x8F2B, s0  }
0xbf: {  	[sflag:s0] =	ssyncadd.remote.s32 $0x1  }
0xc0: {  	_ =	sfence.sel $0xFFFF  }
0xc1: {  	[dreg:$0x0] =	wrdreg $0xFFFFFFFF;
	(pc) =	sbr.abs _section_cstart, $3  }
0xc2: {  	[dreg:$0x1] =	wrdreg $0xFFFFFFFF  }
0xc3: {  	_ =	task.clear_ibuf [dreg:s8], $0x2FFFF;
	_ =	strace $0x9FFFFFFF  }
0xc4: {  	(tm) =	ssettm $0x7FFFFFFF  }
0xc5: {  	_ =	shalt  }
tec
execute0_lowered:
.L_overlay_start_1:
0x0: {  	(tag) =	ssettag $0x1  }
0x1: {  	s3 =	rddreg [dreg:$0x0]  }
0x2: {  	s4 =	rddreg [dreg:$0x1]  }
0x3: {  	s6 =	rddreg [dreg:$0x2]  }
0x4: {  	s0 =	rddreg [dreg:$0x3];
	s5 =	srdreg.scid;
	s2 =	simm.s32 $0x0  }
0x5: {  	s1 =	stileid.u32;
	s10 =	simm.s32 $0x280;
	s5 =	sand.u32 $0x1, s5  }
0x6: {  	s7 =	sshll.u32 s1, $0xA;
	s8 =	sshll.u32 s5, $0x9;
	s9 =	ssub.s32 $0x2, s5  }
0x7: {  	[smem:$0x7FF] =	sst s2;
	s7 =	sor.u32 s8, s7;
	s30 =	sshrl.u32 s9, $0x1  }
0x8: {  	s5 =	sadd.s32 $0x1000, s3;
	s8 =	sshrl.u32 s7, $0x3;
	s3 =	ssub.s32 s9, s30  }
0x9: {  	_ =	strace $0x80000047;
	s16 =	sadd.s32 s4, s8;
	s17 =	smax.u32 s3, $0x1  }
0xa: {  	[tilespmem:s2], [sflag:$0x2] =	stream.linear.gather [hbm4b:s16+s2], $0x200, $0x38;
	[tilespmem:$0x10400] =	vst v63  }
0xb: {  	s11 =	simm.s32 $0x4400;
	s3 =	simm.s32 $0x2;
	p0 =	sne.s32 s17, $0x1  }
.Ltmp0:
0xc: {  	s12 =	simm.s32 $0x300;
	_ =	swait.ge [sflag:s3], $0x200;
	(pc) =	sbr.rel @!p0 .LBB2_2-.Ltmp0, $4  }
0xd: {  	s13 =	simm.s32 $0x8400;
	s14 =	simm.s32 $0x380;
	[sflag:s3] =	ssyncset.done $0x0  }
0xe: {  	s15 =	simm.s32 $0xC400;
	s31 =	sshll.u32 s7, $0x4;
	[sflag:s3] =	ssyncadd.s32 $0xFFFFFE00  }
0xf: {  	s7 =	simm.s32 $0x80;
	s9 =	simm.s32 $0x200;
	s4 =	sadd.s32 s6, s31;
	v0 =	vld [tilespmem:$0x130]  }
0x10: {  	s6 =	simm.s32 $0x400;
	s8 =	simm.s32 $0x1;
	s17 =	sadd.s32 $0xFFFFFFFF, s17;
	v1 =	vld [tilespmem:$0x1C0]  }
.LBB2_1:
0x11: {  	p0 =	sne.s32 s17, $0x1;
	s17 =	sadd.s32 $0xFFFFFFFF, s17;
	v2 =	vld [tilespmem:$0x1D0]  }
0x12: {  	v3 =	vld [tilespmem:$0x1E0]  }
0x13: {  	v4 =	vld [tilespmem:$0x20]  }
0x14: {  	v5 =	vld [tilespmem:$0x0]  }
0x15: {  	v6 =	vld [tilespmem:$0x40]  }
0x16: {  	v2 =	vand.u32 $0x3FFFF, v2;
	v7 =	vld [tilespmem:$0x1F0]  }
0x17: {  	v1 =	vand.u32 $0x3FFFF, v1;
	v8 =	vld [tilespmem:$0x170];
	[tilespmem:$0x3D0] =	vst v2;
	v2 =	vand.u32 $0x3FFFF, v3  }
0x18: {  	v0 =	vand.u32 $0x3FFFF, v0;
	v3 =	vand.u32 $0x3FFFF, v4;
	v4 =	vld [tilespmem:$0x190];
	[tilespmem:$0x3E0] =	vst v2  }
0x19: {  	v2 =	vand.u32 $0x3FFFF, v5;
	[tilespmem:$0x220] =	vst v3;
	v3 =	vld [tilespmem:$0x180]  }
0x1a: {  	[tilespmem:$0x200] =	vst v2;
	v2 =	vld [tilespmem:$0x80]  }
0x1b: {  	v5 =	vld [tilespmem:$0x50];
	[tilespmem:$0x330] =	vst v0;
	v0 =	vand.u32 $0x3FFFF, v7  }
0x1c: {  	v7 =	vld [tilespmem:$0x60];
	v8 =	vand.u32 $0x3FFFF, v8;
	[tilespmem:$0x3C0] =	vst v1  }
0x1d: {  	v1 =	vld [tilespmem:$0x70];
	v4 =	vand.u32 $0x3FFFF, v4;
	[tilespmem:$0x3F0] =	vst v0  }
0x1e: {  	v0 =	vand.u32 $0x3FFFF, v6;
	v6 =	vld [tilespmem:$0x160];
	[tilespmem:$0x370] =	vst v8;
	v3 =	vand.u32 $0x3FFFF, v3  }
0x1f: {  	v8 =	vld [tilespmem:$0x90];
	[tilespmem:$0x390] =	vst v4  }
0x20: {  	v4 =	vand.u32 $0x3FFFF, v5;
	v5 =	vld [tilespmem:$0x150];
	[tilespmem:$0x380] =	vst v3  }
0x21: {  	[tilespmem:$0x240] =	vst v0;
	v0 =	vand.u32 $0x3FFFF, v7;
	v3 =	vld [tilespmem:$0xA0]  }
0x22: {  	[tilespmem:$0x250] =	vst v4;
	v1 =	vand.u32 $0x3FFFF, v1;
	v4 =	vld [tilespmem:$0x140]  }
0x23: {  	v7 =	vld [tilespmem:$0x30];
	[tilespmem:$0x260] =	vst v0;
	v0 =	vand.u32 $0x3FFFF, v2;
	v2 =	vand.u32 $0x3FFFF, v6  }
0x24: {  	[tilespmem:$0x270] =	vst v1;
	v1 =	vld [tilespmem:$0xB0]  }
0x25: {  	v6 =	vand.u32 $0x3FFFF, v8;
	v8 =	vld [tilespmem:$0xC0];
	v5 =	vand.u32 $0x3FFFF, v5;
	[tilespmem:$0x360] =	vst v2  }
0x26: {  	[tilespmem:$0x280] =	vst v0;
	v0 =	vand.u32 $0x3FFFF, v3;
	v2 =	vld [tilespmem:$0x120]  }
0x27: {  	v3 =	vld [tilespmem:$0xD0];
	v4 =	vand.u32 $0x3FFFF, v4;
	[tilespmem:$0x350] =	vst v5  }
0x28: {  	v5 =	vand.u32 $0x3FFFF, v7;
	[tilespmem:$0x2A0] =	vst v0;
	v0 =	vld [tilespmem:$0x110]  }
0x29: {  	v1 =	vand.u32 $0x3FFFF, v1;
	v7 =	vld [tilespmem:$0xE0];
	[tilespmem:$0x340] =	vst v4  }
0x2a: {  	[tilespmem:$0x230] =	vst v5;
	v4 =	vand.u32 $0x3FFFF, v8;
	v5 =	vld [tilespmem:$0x100]  }
0x2b: {  	[tilespmem:$0x2B0] =	vst v1;
	v1 =	vand.u32 $0x3FFFF, v2  }
0x2c: {  	[tilespmem:$0x2C0] =	vst v4;
	v2 =	vand.u32 $0x3FFFF, v3;
	v3 =	vld [tilespmem:$0xF0]  }
0x2d: {  	v4 =	vld [tilespmem:$0x10];
	v0 =	vand.u32 $0x3FFFF, v0;
	[tilespmem:$0x320] =	vst v1  }
0x2e: {  	[tilespmem:$0x2D0] =	vst v2;
	v1 =	vand.u32 $0x3FFFF, v7;
	v2 =	vld [tilespmem:$0x1A0]  }
0x2f: {  	v5 =	vand.u32 $0x3FFFF, v5;
	[tilespmem:$0x310] =	vst v0;
	v0 =	vld [tilespmem:$0x1B0]  }
0x30: {  	[tilespmem:$0x2E0] =	vst v1  }
0x31: {  	v1 =	vand.u32 $0x3FFFF, v3;
	[tilespmem:$0x300] =	vst v5  }
0x32: {  	v3 =	vand.u32 $0x3FFFF, v4;
	[tilespmem:$0x290] =	vst v6  }
0x33: {  	[tilespmem:$0x2F0] =	vst v1;
	v1 =	vand.u32 $0x3FFFF, v2  }
0x34: {  	[tilespmem:$0x3A0] =	vst v1;
	v0 =	vand.u32 $0x3FFFF, v0  }
0x35: {  	[tilespmem:$0x3B0] =	vst v0  }
0x36: {  	[tilespmem:$0x210] =	vst v3  }
0x37: {  	[tilespmem:s6], [sflag:$0x1] =	stream.indirect.gather [hbm4b:s5+s7], $0x80, s9, s7, $0xb8;
	[tilespmem:$0x10400] =	vst v63  }
0x38: {  	_ = 	snop  }
0x39: {  	[tilespmem:s11], [sflag:$0x1] =	stream.indirect.gather [hbm4b:s5+s7], $0x80, s10, s7, $0xb8;
	[tilespmem:$0x10400] =	vst v63  }
0x3a: {  	_ = 	snop  }
0x3b: {  	[tilespmem:s13], [sflag:$0x1] =	stream.indirect.gather [hbm4b:s5+s7], $0x80, s12, s7, $0xb8;
	[tilespmem:$0x10400] =	vst v63  }
0x3c: {  	_ = 	snop  }
0x3d: {  	[tilespmem:s15], [sflag:$0x1] =	stream.indirect.gather [hbm4b:s5+s7], $0x80, s14, s7, $0xb8;
	[tilespmem:$0x10400] =	vst v63  }
0x3e: {  	_ =	swait.ge [sflag:s8], $0x4000  }
0x3f: {  	[sflag:s8] =	ssyncset.done $0x0  }
0x40: {  	[sflag:s8] =	ssyncadd.s32 $0xFFFFC000  }
0x41: {  	_ =	swait.ge [sflag:s8], $0x4000  }
0x42: {  	[sflag:s8] =	ssyncset.done $0x0  }
0x43: {  	[sflag:s8] =	ssyncadd.s32 $0xFFFFC000  }
0x44: {  	_ =	swait.ge [sflag:s8], $0x4000  }
0x45: {  	[sflag:s8] =	ssyncset.done $0x0  }
0x46: {  	[sflag:s8] =	ssyncadd.s32 $0xFFFFC000  }
0x47: {  	_ =	swait.ge [sflag:s8], $0x4000  }
0x48: {  	[sflag:s8] =	ssyncset.done $0x0  }
0x49: {  	[sflag:s8] =	ssyncadd.s32 $0xFFFFC000  }
0x4a: {  	[hbm4b:s4+s2] =	stream.linear.scatter [tilespmem:s6], [sflag:$0x2], $0x10000, $0x38;
	[tilespmem:$0x10400] =	vst v63  }
0x4b: {  	_ =	swait.ge [sflag:s3], $0x10000  }
0x4c: {  	[sflag:s3] =	ssyncset.done $0x0  }
0x4d: {  	[sflag:s3] =	ssyncadd.s32 $0xFFFF0000  }
0x4e: {  	[tilespmem:s2], [sflag:$0x2] =	stream.linear.gather [hbm4b:s16+s2], $0x200, $0x38;
	[tilespmem:$0x10400] =	vst v63  }
.Ltmp1:
0x4f: {  	_ =	swait.ge [sflag:s3], $0x200;
	(pc) =	sbr.rel @p0 .LBB2_1-.Ltmp1, $4  }
0x50: {  	[sflag:s3] =	ssyncset.done $0x0  }
0x51: {  	[sflag:s3] =	ssyncadd.s32 $0xFFFFFE00  }
0x52: {  	v0 =	vld [tilespmem:$0x130]  }
0x53: {  	v1 =	vld [tilespmem:$0x1C0]  }
.LBB2_2:
0x54: {  	v2 =	vld [tilespmem:$0x1D0]  }
0x55: {  	v3 =	vld [tilespmem:$0x1E0]  }
0x56: {  	v4 =	vld [tilespmem:$0x20]  }
0x57: {  	v5 =	vld [tilespmem:$0x0];
	v0 =	vand.u32 $0x3FFFF, v0  }
0x58: {  	v6 =	vld [tilespmem:$0x1F0];
	v1 =	vand.u32 $0x3FFFF, v1;
	[tilespmem:$0x330] =	vst v0  }
0x59: {  	v29 =	vld [tilespmem:$0x170];
	v2 =	vand.u32 $0x3FFFF, v2;
	[tilespmem:$0x3C0] =	vst v1  }
0x5a: {  	v33 =	vld [tilespmem:$0x50];
	v28 =	vand.u32 $0x3FFFF, v3;
	[tilespmem:$0x3D0] =	vst v2  }
0x5b: {  	v34 =	vld [tilespmem:$0x60];
	v4 =	vand.u32 $0x3FFFF, v4;
	[tilespmem:$0x3E0] =	vst v28  }
0x5c: {  	v35 =	vld [tilespmem:$0x70];
	v5 =	vand.u32 $0x3FFFF, v5;
	[tilespmem:$0x220] =	vst v4  }
0x5d: {  	v37 =	vld [tilespmem:$0x80];
	v6 =	vand.u32 $0x3FFFF, v6;
	[tilespmem:$0x200] =	vst v5  }
0x5e: {  	v39 =	vld [tilespmem:$0xA0];
	v3 =	vand.u32 $0x3FFFF, v29;
	[tilespmem:$0x3F0] =	vst v6  }
0x5f: {  	v42 =	vld [tilespmem:$0x30];
	v0 =	vand.u32 $0x3FFFF, v33;
	[tilespmem:$0x370] =	vst v3  }
0x60: {  	v45 =	vld [tilespmem:$0xC0];
	v1 =	vand.u32 $0x3FFFF, v34;
	[tilespmem:$0x250] =	vst v0  }
0x61: {  	v48 =	vld [tilespmem:$0xD0];
	v40 =	vand.u32 $0x3FFFF, v35;
	[tilespmem:$0x260] =	vst v1  }
0x62: {  	v51 =	vld [tilespmem:$0xE0];
	v43 =	vand.u32 $0x3FFFF, v37;
	[tilespmem:$0x270] =	vst v40  }
0x63: {  	v56 =	vld [tilespmem:$0xF0];
	v46 =	vand.u32 $0x3FFFF, v39;
	[tilespmem:$0x280] =	vst v43  }
0x64: {  	v59 =	vld [tilespmem:$0x1B0];
	v49 =	vand.u32 $0x3FFFF, v42;
	[tilespmem:$0x2A0] =	vst v46  }
0x65: {  	v60 =	vld [tilespmem:$0x10];
	v52 =	vand.u32 $0x3FFFF, v45;
	[tilespmem:$0x230] =	vst v49  }
0x66: {  	v30 =	vld [tilespmem:$0x190];
	v55 =	vand.u32 $0x3FFFF, v48;
	[tilespmem:$0x2C0] =	vst v52  }
0x67: {  	v31 =	vld [tilespmem:$0x180];
	v58 =	vand.u32 $0x3FFFF, v51;
	[tilespmem:$0x2D0] =	vst v55  }
0x68: {  	v32 =	vld [tilespmem:$0x40];
	v61 =	vand.u32 $0x3FFFF, v56;
	[tilespmem:$0x2E0] =	vst v58  }
0x69: {  	v36 =	vld [tilespmem:$0x160];
	v62 =	vand.u32 $0x3FFFF, v59;
	[tilespmem:$0x2F0] =	vst v61  }
0x6a: {  	v41 =	vld [tilespmem:$0x140];
	v63 =	vand.u32 $0x3FFFF, v60;
	[tilespmem:$0x3B0] =	vst v62  }
0x6b: {  	v50 =	vld [tilespmem:$0x110];
	v2 =	vand.u32 $0x3FFFF, v30;
	[tilespmem:$0x210] =	vst v63  }
0x6c: {  	v57 =	vld [tilespmem:$0x1A0];
	v4 =	vand.u32 $0x3FFFF, v31;
	[tilespmem:$0x390] =	vst v2  }
0x6d: {  	v38 =	vld [tilespmem:$0x150];
	v5 =	vand.u32 $0x3FFFF, v32;
	[tilespmem:$0x380] =	vst v4  }
0x6e: {  	v44 =	vld [tilespmem:$0xB0];
	v3 =	vand.u32 $0x3FFFF, v36;
	[tilespmem:$0x240] =	vst v5  }
0x6f: {  	v47 =	vld [tilespmem:$0x120];
	v6 =	vand.u32 $0x3FFFF, v41;
	[tilespmem:$0x360] =	vst v3  }
0x70: {  	v53 =	vld [tilespmem:$0x100];
	v1 =	vand.u32 $0x3FFFF, v50;
	[tilespmem:$0x340] =	vst v6  }
0x71: {  	v54 =	vld [tilespmem:$0x90];
	v0 =	vand.u32 $0x3FFFF, v57;
	[tilespmem:$0x310] =	vst v1  }
0x72: {  	v4 =	vand.u32 $0x3FFFF, v38;
	[tilespmem:$0x3A0] =	vst v0  }
0x73: {  	v2 =	vand.u32 $0x3FFFF, v44;
	[tilespmem:$0x350] =	vst v4  }
0x74: {  	v5 =	vand.u32 $0x3FFFF, v47;
	[tilespmem:$0x2B0] =	vst v2  }
0x75: {  	v3 =	vand.u32 $0x3FFFF, v53;
	[tilespmem:$0x320] =	vst v5  }
0x76: {  	v2 =	vand.u32 $0x3FFFF, v54;
	[tilespmem:$0x300] =	vst v3  }
0x77: {  	[tilespmem:$0x290] =	vst v2  }
0x78: {  	[tilespmem:s6], [sflag:$0x1] =	stream.indirect.gather [hbm4b:s5+s7], $0x80, s9, s7, $0xb8;
	[tilespmem:$0x10400] =	vst v63  }
0x79: {  	_ = 	snop  }
0x7a: {  	[tilespmem:s11], [sflag:$0x1] =	stream.indirect.gather [hbm4b:s5+s7], $0x80, s10, s7, $0xb8;
	[tilespmem:$0x10400] =	vst v63  }
0x7b: {  	_ = 	snop  }
0x7c: {  	[tilespmem:s13], [sflag:$0x1] =	stream.indirect.gather [hbm4b:s5+s7], $0x80, s12, s7, $0xb8;
	[tilespmem:$0x10400] =	vst v63  }
0x7d: {  	_ = 	snop  }
0x7e: {  	[tilespmem:s15], [sflag:$0x1] =	stream.indirect.gather [hbm4b:s5+s7], $0x80, s14, s7, $0xb8;
	[tilespmem:$0x10400] =	vst v63  }
0x7f: {  	_ =	swait.ge [sflag:s8], $0x4000  }
0x80: {  	[sflag:s8] =	ssyncset.done $0x0  }
0x81: {  	[sflag:s8] =	ssyncadd.s32 $0xFFFFC000  }
0x82: {  	_ =	swait.ge [sflag:s8], $0x4000  }
0x83: {  	[sflag:s8] =	ssyncset.done $0x0  }
0x84: {  	[sflag:s8] =	ssyncadd.s32 $0xFFFFC000  }
0x85: {  	_ =	swait.ge [sflag:s8], $0x4000  }
0x86: {  	[sflag:s8] =	ssyncset.done $0x0  }
0x87: {  	[sflag:s8] =	ssyncadd.s32 $0xFFFFC000  }
0x88: {  	_ =	swait.ge [sflag:s8], $0x4000  }
0x89: {  	[sflag:s8] =	ssyncset.done $0x0  }
0x8a: {  	[sflag:s8] =	ssyncadd.s32 $0xFFFFC000  }
0x8b: {  	[hbm4b:s4+s2] =	stream.linear.scatter [tilespmem:s6], [sflag:$0x2], $0x10000, $0x38;
	[tilespmem:$0x10400] =	vst v63  }
0x8c: {  	_ =	swait.ge [sflag:s3], $0x10000  }
0x8d: {  	[sflag:s3] =	ssyncset.done $0x0  }
0x8e: {  	[sflag:s3] =	ssyncadd.s32 $0xFFFF0000  }
0x8f: {  	_ =	sfence.sel $0x180000  }
0x90: {  	[bflag:$0x0] =	sbarrier.arrive $0xFFFF  }
0x91: {  	p0 =	sne.s32 s1, $0x0;
	_ =	strace $0x90000047  }
0x92: {  	s0 =	sadd.s32 @!p0 $0x100000, s0;
	[bflag:$0x2] =	sbarrier.arrive $0xFFFF  }
0x93: {  	[sflag:s0] =	ssyncadd.tile.s32 @!p0 $0x1;
	_ =	shalt  }
.Lfunc_end2:
_tile_overlayer_lowered:
.L_overlay_start_2:
0x94: {  	(tag) =	ssettag $0x2  }
0x95: {  	s0 =	rddreg [dreg:$0x0];
	s2 =	stileid.u32  }
0x96: {  	s1 =	rddreg [dreg:$0x1];
	p0 =	sne.s32 s2, $0x0  }
0x97: {  	s3 =	rddreg [dreg:$0x2];
	[bflag:$0x3] =	sbarrier.arrive $0xFFFF;
	s2 =	simm.s32 @!p0 $0x1C02  }
0x98: {  	[timem:s3], [sflag:s2] =	dma.local @!p0 [hbm:s0], s1  }
0x99: {  	s0 =	simm.s32 @!p0 $0x2  }
0x9a: {  	_ =	swait.ge @!p0 [sflag:s0], s1  }
0x9b: {  	s1 =	ssub.s32 @!p0 $0x0, s1;
	[sflag:s0] =	ssyncset.done @!p0 $0x0  }
0x9c: {  	[sflag:s0] =	ssyncadd.s32 @!p0 s1  }
0x9d: {  	[bflag:$0x3] =	sbarrier.arrive $0xFFFF  }
0x9e: {  	_ =	shalt  }

</sc_bundles>
